<compile_context>
chip_gen: v7x
topology: tpu7x:2x2x1
jax: 0.10.2.dev20260603
libtpu: 0.0.44.dev20260713+nightly
codegen_flags: <defaults>
</compile_context>

<pallas_src>
import functools

import jax
import jax.numpy as jnp
from jax import lax
from jax.experimental import pallas as pl
from jax.experimental.pallas import tpu as pltpu
from jax.experimental.pallas import tpu_sc as plsc

Q = 1024
D = 64
K = 100000
CHUNK = 2048
NCHUNK = 49
KPAD = NCHUNK * CHUNK
GROUP = 128
GPC = CHUNK // GROUP
NGROUP = NCHUNK * GPC
NEG = -3.0e38

_NTILE = 32
_QPT = Q // _NTILE


_JPART = (K % CHUNK) // GROUP


def _score_kernel(feat_ref, keys_ref, s_ref, gmax_ref, qn_scr):
    i = pl.program_id(0)

    @pl.when(i == 0)
    def _():
        f = feat_ref[...]
        qn_scr[...] = f * lax.rsqrt(jnp.sum(f * f, axis=1, keepdims=True))

    qn = qn_scr[...]
    k = keys_ref[...]
    kn = k * lax.rsqrt(jnp.maximum(jnp.sum(k * k, axis=1, keepdims=True), 1e-30))
    last = i == NCHUNK - 1
    parts = []
    gparts = []
    for j in range(GPC):
        knj = kn[j * GROUP:(j + 1) * GROUP]
        sj = lax.dot_general(qn, knj, (((1,), (1,)), ((), ())),
                             preferred_element_type=jnp.float32)
        if j == _JPART:
            col = lax.broadcasted_iota(jnp.int32, (Q, GROUP), 1) \
                + i * CHUNK + j * GROUP
            sj = jnp.where(col < K, sj, NEG)
        gj = jnp.max(sj, axis=1, keepdims=True)
        if j > _JPART:
            gj = jnp.where(last, jnp.full((Q, 1), NEG, jnp.float32), gj)
        parts.append(sj)
        gparts.append(gj)
    s_ref[...] = jnp.stack(parts, axis=0)
    g16 = jnp.concatenate(gparts, axis=1)
    gmax_ref[0] = jnp.concatenate(
        [g16, jnp.full((Q, GROUP - GPC), NEG, jnp.float32)], axis=1)


def _merge16(run_asc, new_desc):
    return jnp.maximum(run_asc, new_desc)


def _select_body(sg_hbm, gmax_hbm, out_hbm, gm_v, rows_v, res_v, sem):
    c = lax.axis_index("c")
    s_ = lax.axis_index("s")
    wid = s_ * 2 + c
    q0 = wid * _QPT
    pltpu.sync_copy(gmax_hbm.at[:, pl.ds(q0, _QPT), pl.ds(0, GPC)], gm_v)

    _HQ = _QPT // 2

    def _p2_one(cc, g, rv, ri):
        ids = lax.iota(jnp.int32, 16) + cc * 16
        gs_n, gis = lax.sort((-g, ids), dimension=0, num_keys=1)
        gs = -gs_n
        take = rv >= gs
        mv = jnp.where(take, rv, gs)
        mi = jnp.where(take, ri, gis)
        return lax.sort((mv, mi), dimension=0, num_keys=1)

    def phase2(qi, _):
        def chunk_step(cc, carry):
            rva, ria, rvb, rib = carry
            rva, ria = _p2_one(cc, gm_v[cc, qi, :], rva, ria)
            rvb, rib = _p2_one(cc, gm_v[cc, qi + _HQ, :], rvb, rib)
            return (rva, ria, rvb, rib)

        rv0 = jnp.full((16,), NEG, jnp.float32)
        ri0 = jnp.zeros((16,), jnp.int32)
        rva, ria, rvb, rib = lax.fori_loop(
            0, NCHUNK, chunk_step, (rv0, ri0, rv0, ri0))
        for j in range(6, 16):
            pltpu.async_copy(sg_hbm.at[ria[j], q0 + qi],
                             rows_v.at[qi, j - 6], sem)
            pltpu.async_copy(sg_hbm.at[rib[j], q0 + qi + _HQ],
                             rows_v.at[qi + _HQ, j - 6], sem)
        return 0

    lax.fori_loop(0, _HQ, phase2, 0)

    def drain(qi, _):
        pltpu.make_async_copy(
            sg_hbm.at[0, pl.ds(0, 10), :], rows_v.at[qi], sem).wait()
        return 0

    lax.fori_loop(0, _QPT, drain, 0)

    def _p3_one(v, run2):
        vd = lax.rev(lax.sort(v, dimension=0), (0,))
        return lax.sort(_merge16(run2, vd), dimension=0)

    def phase3(qi, accs):
        def grp(gi, runs):
            def vstep(j, runs2):
                ra, rb = runs2
                ra = _p3_one(rows_v[qi, gi, pl.ds(j * 16, 16)], ra)
                rb = _p3_one(rows_v[qi + _HQ, gi, pl.ds(j * 16, 16)], rb)
                return (ra, rb)
            return lax.fori_loop(0, GROUP // 16, vstep, runs)

        run0 = jnp.full((16,), NEG, jnp.float32)
        ra, rb = lax.fori_loop(0, 10, grp, (run0, run0))
        acc0, acc1 = accs
        lane = lax.iota(jnp.int32, 16)
        acc0 = jnp.where(lane == qi, 2.0 - 2.0 * ra[6], acc0)
        acc1 = jnp.where(lane == qi, 2.0 - 2.0 * rb[6], acc1)
        return (acc0, acc1)

    z = jnp.zeros((16,), jnp.float32)
    acc0, acc1 = lax.fori_loop(0, _HQ, phase3, (z, z))
    res_v[pl.ds(0, 16)] = acc0
    res_v[pl.ds(16, 16)] = acc1
    pltpu.sync_copy(res_v, out_hbm.at[pl.ds(q0, _QPT)])


@functools.cache
def _get_select():
    @functools.partial(
        pl.kernel,
        out_type=jax.ShapeDtypeStruct((Q,), jnp.float32),
        mesh=plsc.VectorSubcoreMesh(core_axis_name="c", subcore_axis_name="s"),
        scratch_types=[
            pltpu.VMEM((NCHUNK, _QPT, 16), jnp.float32),
            pltpu.VMEM((_QPT, 10, GROUP), jnp.float32),
            pltpu.VMEM((_QPT,), jnp.float32),
            pltpu.SemaphoreType.DMA,
        ],
        compiler_params=pltpu.CompilerParams(
            needs_layout_passes=False, use_tc_tiling_on_sc=False
        ),
    )
    def _select(sg_hbm, gmax_hbm, out_hbm, gm_v, rows_v, res_v, sem):
        _select_body(sg_hbm, gmax_hbm, out_hbm, gm_v, rows_v, res_v, sem)

    return _select


def _scores(features, keys_p, interpret=False):
    return pl.pallas_call(
        _score_kernel,
        grid=(NCHUNK,),
        in_specs=[
            pl.BlockSpec((Q, D), lambda i: (0, 0)),
            pl.BlockSpec((CHUNK, D), lambda i: (i, 0)),
        ],
        out_specs=[
            pl.BlockSpec((GPC, Q, GROUP), lambda i: (i, 0, 0)),
            pl.BlockSpec((1, Q, GROUP), lambda i: (i, 0, 0)),
        ],
        out_shape=[
            jax.ShapeDtypeStruct((NGROUP, Q, GROUP), jnp.float32),
            jax.ShapeDtypeStruct((NCHUNK, Q, GROUP), jnp.float32),
        ],
        scratch_shapes=[pltpu.VMEM((Q, D), jnp.float32)],
        interpret=interpret,
    )(features, keys_p)


def kernel(features, logits, keys):
    del logits
    s3, gmax = _scores(features, keys)
    kth = _get_select()(s3, gmax)
    return kth.reshape(Q, 1)

# --- scband reference (transcript-rebuilt; emitter-appended) ---
"""Pipeline reference for scband-knn-58995670777951 (READ-ONLY COPY).

The authoritative reference and input builder live on the scoring server;
editing this copy changes nothing except your own understanding.
"""

import jax, jax.numpy as jnp
import numpy as np

K_NEIGHBORS = 10

def setup_inputs(seed: int = 0) -> dict:
    key = jax.random.key(seed)
    k1, k2, k3 = jax.random.split(key, 3)
    features = jax.random.normal(k1, (1024, 64), dtype=jnp.float32)
    logits = jax.random.normal(k2, (1024, 1000), dtype=jnp.float32)
    keys = jax.random.normal(k3, (100000, 64), dtype=jnp.float32)
    return {"features": features, "logits": logits, "keys": keys}

def _normalize(x):
    return x / jnp.linalg.norm(x, ord=2, axis=1, keepdims=True)

def reference(features, logits, keys):
    # fit(): faiss IndexFlatL2 stores L2-normalized train features
    kn = _normalize(keys)
    # forward(): normalize queries, brute-force squared-L2 search, return dist to k-th NN
    qn = _normalize(features)
    # squared L2 distances: ||q||^2 + ||x||^2 - 2 q.x  (faiss IndexFlatL2 returns squared L2)
    q_sq = jnp.sum(qn * qn, axis=1, keepdims=True)          # [Q, 1]
    k_sq = jnp.sum(kn * kn, axis=1)[None, :]                # [1, K]
    d2 = q_sq + k_sq - 2.0 * (qn @ kn.T)                    # [Q, K]
    # k smallest distances, sorted ascending -> take the k-th (last) one
    neg_topk, _ = jax.lax.top_k(-d2, K_NEIGHBORS)
    kth_dist = -neg_topk[:, -1]
    return kth_dist.reshape(-1, 1)

if __name__ == "__main__":
    import jax
    _d = setup_inputs()
    print(jax.jit(kernel)(*tuple(_d.values())))

</pallas_src>

<mosaic_0001>
#map = affine_map<(d0, d1) -> (0, 0, 0)>
#map1 = affine_map<(d0, d1) -> (0)>
module attributes {stable_mosaic.version = 14 : i64} {
  func.func @_select(%arg0: i32, %arg1: i32, %arg2: memref<784x1024x128xf32, #tpu.memory_space<hbm>>, %arg3: memref<49x1024x128xf32, #tpu.memory_space<hbm>>, %arg4: memref<1024xf32, #tpu.memory_space<hbm>>, %arg5: memref<49x32x16xf32, #tpu.memory_space<vmem>>, %arg6: memref<32x10x128xf32, #tpu.memory_space<vmem>>, %arg7: memref<32xf32, #tpu.memory_space<vmem>>, %arg8: memref<!tpu.dma_semaphore, #tpu.memory_space<semaphore_mem>>) attributes {dimension_semantics = [#tpu.dimension_semantics<core_parallel>, #tpu.dimension_semantics<subcore_parallel>], iteration_bounds = array<i64: 2, 16>, scalar_prefetch = 0 : i64, scratch_operands = 4 : i64, tpu.core_type = #tpu.core_type<sc_vector_subcore>, window_params = [{transform_indices = #map}, {transform_indices = #map}, {transform_indices = #map1}]} {
    %mul3A = arith.constant 2 : i32
    %mul3A_0 = arith.muli %arg1, %mul3A : i32
    %add3A = arith.addi %mul3A_0, %arg0 : i32
    %mul3A_1 = arith.constant 32 : i32
    %mul3A_2 = arith.muli %add3A, %mul3A_1 : i32
    "tpu.region"() ({
      %run_scoped3A = tpu.sem_alloc : memref<!tpu.dma_semaphore, #tpu.memory_space<semaphore_mem>>
      %dma_start3A = arith.constant 0 : i32
      %dma_start3A_26 = arith.constant 0 : i32
      %dma_start3A_27 = tpu.memref_slice %arg3[%dma_start3A, %mul3A_2, %dma_start3A_26] : memref<49x1024x128xf32, #tpu.memory_space<hbm>> -> memref<49x32x16xf32, #tpu.memory_space<hbm>>
      %dma_start3A_28 = arith.constant 0 : i32
      %dma_start3A_29 = arith.constant 0 : i32
      %dma_start3A_30 = tpu.memref_slice %arg3[%dma_start3A_28, %mul3A_2, %dma_start3A_29] : memref<49x1024x128xf32, #tpu.memory_space<hbm>> -> memref<49x32x16xf32, #tpu.memory_space<hbm>>
      tpu.enqueue_dma source(%dma_start3A_30 : memref<49x32x16xf32, #tpu.memory_space<hbm>>) target(%arg5 : memref<49x32x16xf32, #tpu.memory_space<vmem>>) target_semaphore(%run_scoped3A : memref<!tpu.dma_semaphore, #tpu.memory_space<semaphore_mem>>)
      %dma_wait3A = arith.constant 0 : i32
      %dma_wait3A_31 = arith.constant 0 : i32
      %dma_wait3A_32 = tpu.memref_slice %arg3[%dma_wait3A, %mul3A_2, %dma_wait3A_31] : memref<49x1024x128xf32, #tpu.memory_space<hbm>> -> memref<49x32x16xf32, #tpu.memory_space<hbm>>
      %dma_wait3A_33 = arith.constant 0 : i32
      %dma_wait3A_34 = arith.constant 0 : i32
      %dma_wait3A_35 = tpu.memref_slice %arg3[%dma_wait3A_33, %mul3A_2, %dma_wait3A_34] : memref<49x1024x128xf32, #tpu.memory_space<hbm>> -> memref<49x32x16xf32, #tpu.memory_space<hbm>>
      tpu.wait_dma2 semaphore(%run_scoped3A : memref<!tpu.dma_semaphore, #tpu.memory_space<semaphore_mem>>) src(%dma_wait3A_35 : memref<49x32x16xf32, #tpu.memory_space<hbm>>) dst(%arg5 : memref<49x32x16xf32, #tpu.memory_space<vmem>>)
      tpu.yield
    }) : () -> ()
    %scan3A = arith.constant 0 : i32
    %scan3A_3 = arith.constant 0 : i32
    %scan3A_4 = arith.constant 16 : i32
    %scan3A_5 = arith.addi %scan3A_3, %scan3A_4 : i32
    %scan3A_6 = arith.constant 1 : i32
    %scan3A_7 = scf.for %scan3A_26 = %scan3A_3 to %scan3A_5 step %scan3A_6 iter_args(%scan3A_27 = %scan3A) -> (i32)  : i32 {
      %broadcast_in_dim3A_28 = arith.constant -3.000000e+38 : f32
      %broadcast_in_dim3A_29 = vector.broadcast %broadcast_in_dim3A_28 : f32 to vector<16xf32>
      %broadcast_in_dim3A_30 = arith.constant 0 : i32
      %broadcast_in_dim3A_31 = vector.broadcast %broadcast_in_dim3A_30 : i32 to vector<16xi32>
      %scan3A_32 = arith.constant 0 : i32
      %scan3A_33 = arith.constant 49 : i32
      %scan3A_34 = arith.addi %scan3A_32, %scan3A_33 : i32
      %scan3A_35 = arith.constant 1 : i32
      %scan3A_36:4 = scf.for %scan3A_396 = %scan3A_32 to %scan3A_34 step %scan3A_35 iter_args(%scan3A_397 = %broadcast_in_dim3A_29, %scan3A_398 = %broadcast_in_dim3A_31, %scan3A_399 = %broadcast_in_dim3A_29, %scan3A_400 = %broadcast_in_dim3A_31) -> (vector<16xf32>, vector<16xi32>, vector<16xf32>, vector<16xi32>)  : i32 {
        %get3A = arith.index_cast %scan3A_396 : i32 to index
        %get3A_401 = arith.index_cast %scan3A_26 : i32 to index
        %get3A_402 = arith.constant 0 : index
        %get3A_403 = tpu.vector_load %arg5[%get3A, %get3A_401, %get3A_402] {strides = array<i32>} : memref<49x32x16xf32, #tpu.memory_space<vmem>>, vector<16xf32>,
        %iota3A = tpu.iota {dimensions = array<i32: 0>} : vector<16xi32>
        %mul3A_404 = arith.constant 16 : i32
        %mul3A_405 = arith.muli %scan3A_396, %mul3A_404 : i32
        %add3A_406 = vector.broadcast %mul3A_405 : i32 to vector<16xi32>
        %add3A_407 = arith.addi %iota3A, %add3A_406 : vector<16xi32>
        %neg3A = arith.constant 0.000000e+00 : f32
        %neg3A_408 = vector.broadcast %neg3A : f32 to vector<16xf32>
        %neg3A_409 = arith.subf %neg3A_408, %get3A_403 : vector<16xf32>
        %sort3A = arith.constant dense<true> : vector<16xi1>
        %sort3A_410, %sort3A_411, %sort3A_412 = tpu.sort %neg3A_409, %add3A_407 masked %sort3A : (vector<16xf32>, vector<16xi32>, vector<16xi1>) -> (vector<16xi1>, vector<16xf32>, vector<16xi32>)
        %neg3A_413 = arith.constant 0.000000e+00 : f32
        %neg3A_414 = vector.broadcast %neg3A_413 : f32 to vector<16xf32>
        %neg3A_415 = arith.subf %neg3A_414, %sort3A_411 : vector<16xf32>
        %ge3A = arith.cmpf oge, %scan3A_397, %neg3A_415 : vector<16xf32>
        %select_n3A = arith.select %ge3A, %scan3A_397, %neg3A_415 : vector<16xi1>, vector<16xf32>
        %select_n3A_416 = arith.select %ge3A, %scan3A_398, %sort3A_412 : vector<16xi1>, vector<16xi32>
        %sort3A_417 = arith.constant dense<true> : vector<16xi1>
        %sort3A_418, %sort3A_419, %sort3A_420 = tpu.sort %select_n3A, %select_n3A_416 masked %sort3A_417 : (vector<16xf32>, vector<16xi32>, vector<16xi1>) -> (vector<16xi1>, vector<16xf32>, vector<16xi32>)
        %add3A_421 = arith.constant 16 : i32
        %add3A_422 = arith.addi %scan3A_26, %add3A_421 : i32
        %get3A_423 = arith.index_cast %scan3A_396 : i32 to index
        %get3A_424 = arith.index_cast %add3A_422 : i32 to index
        %get3A_425 = arith.constant 0 : index
        %get3A_426 = tpu.vector_load %arg5[%get3A_423, %get3A_424, %get3A_425] {strides = array<i32>} : memref<49x32x16xf32, #tpu.memory_space<vmem>>, vector<16xf32>,
        %iota3A_427 = tpu.iota {dimensions = array<i32: 0>} : vector<16xi32>
        %mul3A_428 = arith.constant 16 : i32
        %mul3A_429 = arith.muli %scan3A_396, %mul3A_428 : i32
        %add3A_430 = vector.broadcast %mul3A_429 : i32 to vector<16xi32>
        %add3A_431 = arith.addi %iota3A_427, %add3A_430 : vector<16xi32>
        %neg3A_432 = arith.constant 0.000000e+00 : f32
        %neg3A_433 = vector.broadcast %neg3A_432 : f32 to vector<16xf32>
        %neg3A_434 = arith.subf %neg3A_433, %get3A_426 : vector<16xf32>
        %sort3A_435 = arith.constant dense<true> : vector<16xi1>
        %sort3A_436, %sort3A_437, %sort3A_438 = tpu.sort %neg3A_434, %add3A_431 masked %sort3A_435 : (vector<16xf32>, vector<16xi32>, vector<16xi1>) -> (vector<16xi1>, vector<16xf32>, vector<16xi32>)
        %neg3A_439 = arith.constant 0.000000e+00 : f32
        %neg3A_440 = vector.broadcast %neg3A_439 : f32 to vector<16xf32>
        %neg3A_441 = arith.subf %neg3A_440, %sort3A_437 : vector<16xf32>
        %ge3A_442 = arith.cmpf oge, %scan3A_399, %neg3A_441 : vector<16xf32>
        %select_n3A_443 = arith.select %ge3A_442, %scan3A_399, %neg3A_441 : vector<16xi1>, vector<16xf32>
        %select_n3A_444 = arith.select %ge3A_442, %scan3A_400, %sort3A_438 : vector<16xi1>, vector<16xi32>
        %sort3A_445 = arith.constant dense<true> : vector<16xi1>
        %sort3A_446, %sort3A_447, %sort3A_448 = tpu.sort %select_n3A_443, %select_n3A_444 masked %sort3A_445 : (vector<16xf32>, vector<16xi32>, vector<16xi1>) -> (vector<16xi1>, vector<16xf32>, vector<16xi32>)
        scf.yield %sort3A_419, %sort3A_420, %sort3A_447, %sort3A_448 : vector<16xf32>, vector<16xi32>, vector<16xf32>, vector<16xi32>
      }
      %scan3A_37 = arith.constant 49 : i32
      %slice3A = vector.extract_strided_slice %scan3A_36#1 {offsets = [6], sizes = [1], strides = [1]} : vector<16xi32> to vector<1xi32>
      %squeeze3A = vector.extract %slice3A[0] : i32 from vector<1xi32>
      %add3A_38 = arith.addi %mul3A_2, %scan3A_26 : i32
      %dma_start3A = arith.constant 0 : i32
      %dma_start3A_39 = arith.constant 0 : i32
      %dma_start3A_40 = tpu.memref_slice %arg6[%scan3A_26, %dma_start3A, %dma_start3A_39] : memref<32x10x128xf32, #tpu.memory_space<vmem>> -> memref<1x1x128xf32, #tpu.memory_space<vmem>>
      %dma_start3A_41 = tpu.memref_squeeze %dma_start3A_40 : memref<1x1x128xf32, #tpu.memory_space<vmem>> -> memref<128xf32, #tpu.memory_space<vmem>>
      %dma_start3A_42 = arith.constant 0 : i32
      %dma_start3A_43 = tpu.memref_slice %arg2[%squeeze3A, %add3A_38, %dma_start3A_42] : memref<784x1024x128xf32, #tpu.memory_space<hbm>> -> memref<1x1x128xf32, #tpu.memory_space<hbm>>
      %dma_start3A_44 = tpu.memref_squeeze %dma_start3A_43 : memref<1x1x128xf32, #tpu.memory_space<hbm>> -> memref<128xf32, #tpu.memory_space<hbm>>
      %dma_start3A_45 = arith.constant 0 : i32
      %dma_start3A_46 = tpu.memref_slice %arg6[%scan3A_26, %dma_start3A, %dma_start3A_45] : memref<32x10x128xf32, #tpu.memory_space<vmem>> -> memref<1x1x128xf32, #tpu.memory_space<vmem>>
      %dma_start3A_47 = tpu.memref_squeeze %dma_start3A_46 : memref<1x1x128xf32, #tpu.memory_space<vmem>> -> memref<128xf32, #tpu.memory_space<vmem>>
      %dma_start3A_48 = arith.constant 0 : i32
      %dma_start3A_49 = tpu.memref_slice %arg2[%squeeze3A, %add3A_38, %dma_start3A_48] : memref<784x1024x128xf32, #tpu.memory_space<hbm>> -> memref<1x1x128xf32, #tpu.memory_space<hbm>>
      %dma_start3A_50 = tpu.memref_squeeze %dma_start3A_49 : memref<1x1x128xf32, #tpu.memory_space<hbm>> -> memref<128xf32, #tpu.memory_space<hbm>>
      tpu.enqueue_dma source(%dma_start3A_50 : memref<128xf32, #tpu.memory_space<hbm>>) target(%dma_start3A_47 : memref<128xf32, #tpu.memory_space<vmem>>) target_semaphore(%arg8 : memref<!tpu.dma_semaphore, #tpu.memory_space<semaphore_mem>>)
      %slice3A_51 = vector.extract_strided_slice %scan3A_36#3 {offsets = [6], sizes = [1], strides = [1]} : vector<16xi32> to vector<1xi32>
      %squeeze3A_52 = vector.extract %slice3A_51[0] : i32 from vector<1xi32>
      %add3A_53 = arith.addi %mul3A_2, %scan3A_26 : i32
      %add3A_54 = arith.constant 16 : i32
      %add3A_55 = arith.addi %add3A_53, %add3A_54 : i32
      %add3A_56 = arith.constant 16 : i32
      %add3A_57 = arith.addi %scan3A_26, %add3A_56 : i32
      %dma_start3A_58 = arith.constant 0 : i32
      %dma_start3A_59 = arith.constant 0 : i32
      %dma_start3A_60 = tpu.memref_slice %arg6[%add3A_57, %dma_start3A_58, %dma_start3A_59] : memref<32x10x128xf32, #tpu.memory_space<vmem>> -> memref<1x1x128xf32, #tpu.memory_space<vmem>>
      %dma_start3A_61 = tpu.memref_squeeze %dma_start3A_60 : memref<1x1x128xf32, #tpu.memory_space<vmem>> -> memref<128xf32, #tpu.memory_space<vmem>>
      %dma_start3A_62 = arith.constant 0 : i32
      %dma_start3A_63 = tpu.memref_slice %arg2[%squeeze3A_52, %add3A_55, %dma_start3A_62] : memref<784x1024x128xf32, #tpu.memory_space<hbm>> -> memref<1x1x128xf32, #tpu.memory_space<hbm>>
      %dma_start3A_64 = tpu.memref_squeeze %dma_start3A_63 : memref<1x1x128xf32, #tpu.memory_space<hbm>> -> memref<128xf32, #tpu.memory_space<hbm>>
      %dma_start3A_65 = arith.constant 0 : i32
      %dma_start3A_66 = tpu.memref_slice %arg6[%add3A_57, %dma_start3A_58, %dma_start3A_65] : memref<32x10x128xf32, #tpu.memory_space<vmem>> -> memref<1x1x128xf32, #tpu.memory_space<vmem>>
      %dma_start3A_67 = tpu.memref_squeeze %dma_start3A_66 : memref<1x1x128xf32, #tpu.memory_space<vmem>> -> memref<128xf32, #tpu.memory_space<vmem>>
      %dma_start3A_68 = arith.constant 0 : i32
      %dma_start3A_69 = tpu.memref_slice %arg2[%squeeze3A_52, %add3A_55, %dma_start3A_68] : memref<784x1024x128xf32, #tpu.memory_space<hbm>> -> memref<1x1x128xf32, #tpu.memory_space<hbm>>
      %dma_start3A_70 = tpu.memref_squeeze %dma_start3A_69 : memref<1x1x128xf32, #tpu.memory_space<hbm>> -> memref<128xf32, #tpu.memory_space<hbm>>
      tpu.enqueue_dma source(%dma_start3A_70 : memref<128xf32, #tpu.memory_space<hbm>>) target(%dma_start3A_67 : memref<128xf32, #tpu.memory_space<vmem>>) target_semaphore(%arg8 : memref<!tpu.dma_semaphore, #tpu.memory_space<semaphore_mem>>)
      %slice3A_71 = vector.extract_strided_slice %scan3A_36#1 {offsets = [7], sizes = [1], strides = [1]} : vector<16xi32> to vector<1xi32>
      %squeeze3A_72 = vector.extract %slice3A_71[0] : i32 from vector<1xi32>
      %add3A_73 = arith.addi %mul3A_2, %scan3A_26 : i32
      %dma_start3A_74 = arith.constant 1 : i32
      %dma_start3A_75 = arith.constant 0 : i32
      %dma_start3A_76 = tpu.memref_slice %arg6[%scan3A_26, %dma_start3A_74, %dma_start3A_75] : memref<32x10x128xf32, #tpu.memory_space<vmem>> -> memref<1x1x128xf32, #tpu.memory_space<vmem>>
      %dma_start3A_77 = tpu.memref_squeeze %dma_start3A_76 : memref<1x1x128xf32, #tpu.memory_space<vmem>> -> memref<128xf32, #tpu.memory_space<vmem>>
      %dma_start3A_78 = arith.constant 0 : i32
      %dma_start3A_79 = tpu.memref_slice %arg2[%squeeze3A_72, %add3A_73, %dma_start3A_78] : memref<784x1024x128xf32, #tpu.memory_space<hbm>> -> memref<1x1x128xf32, #tpu.memory_space<hbm>>
      %dma_start3A_80 = tpu.memref_squeeze %dma_start3A_79 : memref<1x1x128xf32, #tpu.memory_space<hbm>> -> memref<128xf32, #tpu.memory_space<hbm>>
      %dma_start3A_81 = arith.constant 0 : i32
      %dma_start3A_82 = tpu.memref_slice %arg6[%scan3A_26, %dma_start3A_74, %dma_start3A_81] : memref<32x10x128xf32, #tpu.memory_space<vmem>> -> memref<1x1x128xf32, #tpu.memory_space<vmem>>
      %dma_start3A_83 = tpu.memref_squeeze %dma_start3A_82 : memref<1x1x128xf32, #tpu.memory_space<vmem>> -> memref<128xf32, #tpu.memory_space<vmem>>
      %dma_start3A_84 = arith.constant 0 : i32
      %dma_start3A_85 = tpu.memref_slice %arg2[%squeeze3A_72, %add3A_73, %dma_start3A_84] : memref<784x1024x128xf32, #tpu.memory_space<hbm>> -> memref<1x1x128xf32, #tpu.memory_space<hbm>>
      %dma_start3A_86 = tpu.memref_squeeze %dma_start3A_85 : memref<1x1x128xf32, #tpu.memory_space<hbm>> -> memref<128xf32, #tpu.memory_space<hbm>>
      tpu.enqueue_dma source(%dma_start3A_86 : memref<128xf32, #tpu.memory_space<hbm>>) target(%dma_start3A_83 : memref<128xf32, #tpu.memory_space<vmem>>) target_semaphore(%arg8 : memref<!tpu.dma_semaphore, #tpu.memory_space<semaphore_mem>>)
      %slice3A_87 = vector.extract_strided_slice %scan3A_36#3 {offsets = [7], sizes = [1], strides = [1]} : vector<16xi32> to vector<1xi32>
      %squeeze3A_88 = vector.extract %slice3A_87[0] : i32 from vector<1xi32>
      %add3A_89 = arith.addi %mul3A_2, %scan3A_26 : i32
      %add3A_90 = arith.constant 16 : i32
      %add3A_91 = arith.addi %add3A_89, %add3A_90 : i32
      %add3A_92 = arith.constant 16 : i32
      %add3A_93 = arith.addi %scan3A_26, %add3A_92 : i32
      %dma_start3A_94 = arith.constant 1 : i32
      %dma_start3A_95 = arith.constant 0 : i32
      %dma_start3A_96 = tpu.memref_slice %arg6[%add3A_93, %dma_start3A_94, %dma_start3A_95] : memref<32x10x128xf32, #tpu.memory_space<vmem>> -> memref<1x1x128xf32, #tpu.memory_space<vmem>>
      %dma_start3A_97 = tpu.memref_squeeze %dma_start3A_96 : memref<1x1x128xf32, #tpu.memory_space<vmem>> -> memref<128xf32, #tpu.memory_space<vmem>>
      %dma_start3A_98 = arith.constant 0 : i32
      %dma_start3A_99 = tpu.memref_slice %arg2[%squeeze3A_88, %add3A_91, %dma_start3A_98] : memref<784x1024x128xf32, #tpu.memory_space<hbm>> -> memref<1x1x128xf32, #tpu.memory_space<hbm>>
      %dma_start3A_100 = tpu.memref_squeeze %dma_start3A_99 : memref<1x1x128xf32, #tpu.memory_space<hbm>> -> memref<128xf32, #tpu.memory_space<hbm>>
      %dma_start3A_101 = arith.constant 0 : i32
      %dma_start3A_102 = tpu.memref_slice %arg6[%add3A_93, %dma_start3A_94, %dma_start3A_101] : memref<32x10x128xf32, #tpu.memory_space<vmem>> -> memref<1x1x128xf32, #tpu.memory_space<vmem>>
      %dma_start3A_103 = tpu.memref_squeeze %dma_start3A_102 : memref<1x1x128xf32, #tpu.memory_space<vmem>> -> memref<128xf32, #tpu.memory_space<vmem>>
      %dma_start3A_104 = arith.constant 0 : i32
      %dma_start3A_105 = tpu.memref_slice %arg2[%squeeze3A_88, %add3A_91, %dma_start3A_104] : memref<784x1024x128xf32, #tpu.memory_space<hbm>> -> memref<1x1x128xf32, #tpu.memory_space<hbm>>
      %dma_start3A_106 = tpu.memref_squeeze %dma_start3A_105 : memref<1x1x128xf32, #tpu.memory_space<hbm>> -> memref<128xf32, #tpu.memory_space<hbm>>
      tpu.enqueue_dma source(%dma_start3A_106 : memref<128xf32, #tpu.memory_space<hbm>>) target(%dma_start3A_103 : memref<128xf32, #tpu.memory_space<vmem>>) target_semaphore(%arg8 : memref<!tpu.dma_semaphore, #tpu.memory_space<semaphore_mem>>)
      %slice3A_107 = vector.extract_strided_slice %scan3A_36#1 {offsets = [8], sizes = [1], strides = [1]} : vector<16xi32> to vector<1xi32>
      %squeeze3A_108 = vector.extract %slice3A_107[0] : i32 from vector<1xi32>
      %add3A_109 = arith.addi %mul3A_2, %scan3A_26 : i32
      %dma_start3A_110 = arith.constant 2 : i32
      %dma_start3A_111 = arith.constant 0 : i32
      %dma_start3A_112 = tpu.memref_slice %arg6[%scan3A_26, %dma_start3A_110, %dma_start3A_111] : memref<32x10x128xf32, #tpu.memory_space<vmem>> -> memref<1x1x128xf32, #tpu.memory_space<vmem>>
      %dma_start3A_113 = tpu.memref_squeeze %dma_start3A_112 : memref<1x1x128xf32, #tpu.memory_space<vmem>> -> memref<128xf32, #tpu.memory_space<vmem>>
      %dma_start3A_114 = arith.constant 0 : i32
      %dma_start3A_115 = tpu.memref_slice %arg2[%squeeze3A_108, %add3A_109, %dma_start3A_114] : memref<784x1024x128xf32, #tpu.memory_space<hbm>> -> memref<1x1x128xf32, #tpu.memory_space<hbm>>
      %dma_start3A_116 = tpu.memref_squeeze %dma_start3A_115 : memref<1x1x128xf32, #tpu.memory_space<hbm>> -> memref<128xf32, #tpu.memory_space<hbm>>
      %dma_start3A_117 = arith.constant 0 : i32
      %dma_start3A_118 = tpu.memref_slice %arg6[%scan3A_26, %dma_start3A_110, %dma_start3A_117] : memref<32x10x128xf32, #tpu.memory_space<vmem>> -> memref<1x1x128xf32, #tpu.memory_space<vmem>>
      %dma_start3A_119 = tpu.memref_squeeze %dma_start3A_118 : memref<1x1x128xf32, #tpu.memory_space<vmem>> -> memref<128xf32, #tpu.memory_space<vmem>>
      %dma_start3A_120 = arith.constant 0 : i32
      %dma_start3A_121 = tpu.memref_slice %arg2[%squeeze3A_108, %add3A_109, %dma_start3A_120] : memref<784x1024x128xf32, #tpu.memory_space<hbm>> -> memref<1x1x128xf32, #tpu.memory_space<hbm>>
      %dma_start3A_122 = tpu.memref_squeeze %dma_start3A_121 : memref<1x1x128xf32, #tpu.memory_space<hbm>> -> memref<128xf32, #tpu.memory_space<hbm>>
      tpu.enqueue_dma source(%dma_start3A_122 : memref<128xf32, #tpu.memory_space<hbm>>) target(%dma_start3A_119 : memref<128xf32, #tpu.memory_space<vmem>>) target_semaphore(%arg8 : memref<!tpu.dma_semaphore, #tpu.memory_space<semaphore_mem>>)
      %slice3A_123 = vector.extract_strided_slice %scan3A_36#3 {offsets = [8], sizes = [1], strides = [1]} : vector<16xi32> to vector<1xi32>
      %squeeze3A_124 = vector.extract %slice3A_123[0] : i32 from vector<1xi32>
      %add3A_125 = arith.addi %mul3A_2, %scan3A_26 : i32
      %add3A_126 = arith.constant 16 : i32
      %add3A_127 = arith.addi %add3A_125, %add3A_126 : i32
      %add3A_128 = arith.constant 16 : i32
      %add3A_129 = arith.addi %scan3A_26, %add3A_128 : i32
      %dma_start3A_130 = arith.constant 2 : i32
      %dma_start3A_131 = arith.constant 0 : i32
      %dma_start3A_132 = tpu.memref_slice %arg6[%add3A_129, %dma_start3A_130, %dma_start3A_131] : memref<32x10x128xf32, #tpu.memory_space<vmem>> -> memref<1x1x128xf32, #tpu.memory_space<vmem>>
      %dma_start3A_133 = tpu.memref_squeeze %dma_start3A_132 : memref<1x1x128xf32, #tpu.memory_space<vmem>> -> memref<128xf32, #tpu.memory_space<vmem>>
      %dma_start3A_134 = arith.constant 0 : i32
      %dma_start3A_135 = tpu.memref_slice %arg2[%squeeze3A_124, %add3A_127, %dma_start3A_134] : memref<784x1024x128xf32, #tpu.memory_space<hbm>> -> memref<1x1x128xf32, #tpu.memory_space<hbm>>
      %dma_start3A_136 = tpu.memref_squeeze %dma_start3A_135 : memref<1x1x128xf32, #tpu.memory_space<hbm>> -> memref<128xf32, #tpu.memory_space<hbm>>
      %dma_start3A_137 = arith.constant 0 : i32
      %dma_start3A_138 = tpu.memref_slice %arg6[%add3A_129, %dma_start3A_130, %dma_start3A_137] : memref<32x10x128xf32, #tpu.memory_space<vmem>> -> memref<1x1x128xf32, #tpu.memory_space<vmem>>
      %dma_start3A_139 = tpu.memref_squeeze %dma_start3A_138 : memref<1x1x128xf32, #tpu.memory_space<vmem>> -> memref<128xf32, #tpu.memory_space<vmem>>
      %dma_start3A_140 = arith.constant 0 : i32
      %dma_start3A_141 = tpu.memref_slice %arg2[%squeeze3A_124, %add3A_127, %dma_start3A_140] : memref<784x1024x128xf32, #tpu.memory_space<hbm>> -> memref<1x1x128xf32, #tpu.memory_space<hbm>>
      %dma_start3A_142 = tpu.memref_squeeze %dma_start3A_141 : memref<1x1x128xf32, #tpu.memory_space<hbm>> -> memref<128xf32, #tpu.memory_space<hbm>>
      tpu.enqueue_dma source(%dma_start3A_142 : memref<128xf32, #tpu.memory_space<hbm>>) target(%dma_start3A_139 : memref<128xf32, #tpu.memory_space<vmem>>) target_semaphore(%arg8 : memref<!tpu.dma_semaphore, #tpu.memory_space<semaphore_mem>>)
      %slice3A_143 = vector.extract_strided_slice %scan3A_36#1 {offsets = [9], sizes = [1], strides = [1]} : vector<16xi32> to vector<1xi32>
      %squeeze3A_144 = vector.extract %slice3A_143[0] : i32 from vector<1xi32>
      %add3A_145 = arith.addi %mul3A_2, %scan3A_26 : i32
      %dma_start3A_146 = arith.constant 3 : i32
      %dma_start3A_147 = arith.constant 0 : i32
      %dma_start3A_148 = tpu.memref_slice %arg6[%scan3A_26, %dma_start3A_146, %dma_start3A_147] : memref<32x10x128xf32, #tpu.memory_space<vmem>> -> memref<1x1x128xf32, #tpu.memory_space<vmem>>
      %dma_start3A_149 = tpu.memref_squeeze %dma_start3A_148 : memref<1x1x128xf32, #tpu.memory_space<vmem>> -> memref<128xf32, #tpu.memory_space<vmem>>
      %dma_start3A_150 = arith.constant 0 : i32
      %dma_start3A_151 = tpu.memref_slice %arg2[%squeeze3A_144, %add3A_145, %dma_start3A_150] : memref<784x1024x128xf32, #tpu.memory_space<hbm>> -> memref<1x1x128xf32, #tpu.memory_space<hbm>>
      %dma_start3A_152 = tpu.memref_squeeze %dma_start3A_151 : memref<1x1x128xf32, #tpu.memory_space<hbm>> -> memref<128xf32, #tpu.memory_space<hbm>>
      %dma_start3A_153 = arith.constant 0 : i32
      %dma_start3A_154 = tpu.memref_slice %arg6[%scan3A_26, %dma_start3A_146, %dma_start3A_153] : memref<32x10x128xf32, #tpu.memory_space<vmem>> -> memref<1x1x128xf32, #tpu.memory_space<vmem>>
      %dma_start3A_155 = tpu.memref_squeeze %dma_start3A_154 : memref<1x1x128xf32, #tpu.memory_space<vmem>> -> memref<128xf32, #tpu.memory_space<vmem>>
      %dma_start3A_156 = arith.constant 0 : i32
      %dma_start3A_157 = tpu.memref_slice %arg2[%squeeze3A_144, %add3A_145, %dma_start3A_156] : memref<784x1024x128xf32, #tpu.memory_space<hbm>> -> memref<1x1x128xf32, #tpu.memory_space<hbm>>
      %dma_start3A_158 = tpu.memref_squeeze %dma_start3A_157 : memref<1x1x128xf32, #tpu.memory_space<hbm>> -> memref<128xf32, #tpu.memory_space<hbm>>
      tpu.enqueue_dma source(%dma_start3A_158 : memref<128xf32, #tpu.memory_space<hbm>>) target(%dma_start3A_155 : memref<128xf32, #tpu.memory_space<vmem>>) target_semaphore(%arg8 : memref<!tpu.dma_semaphore, #tpu.memory_space<semaphore_mem>>)
      %slice3A_159 = vector.extract_strided_slice %scan3A_36#3 {offsets = [9], sizes = [1], strides = [1]} : vector<16xi32> to vector<1xi32>
      %squeeze3A_160 = vector.extract %slice3A_159[0] : i32 from vector<1xi32>
      %add3A_161 = arith.addi %mul3A_2, %scan3A_26 : i32
      %add3A_162 = arith.constant 16 : i32
      %add3A_163 = arith.addi %add3A_161, %add3A_162 : i32
      %add3A_164 = arith.constant 16 : i32
      %add3A_165 = arith.addi %scan3A_26, %add3A_164 : i32
      %dma_start3A_166 = arith.constant 3 : i32
      %dma_start3A_167 = arith.constant 0 : i32
      %dma_start3A_168 = tpu.memref_slice %arg6[%add3A_165, %dma_start3A_166, %dma_start3A_167] : memref<32x10x128xf32, #tpu.memory_space<vmem>> -> memref<1x1x128xf32, #tpu.memory_space<vmem>>
      %dma_start3A_169 = tpu.memref_squeeze %dma_start3A_168 : memref<1x1x128xf32, #tpu.memory_space<vmem>> -> memref<128xf32, #tpu.memory_space<vmem>>
      %dma_start3A_170 = arith.constant 0 : i32
      %dma_start3A_171 = tpu.memref_slice %arg2[%squeeze3A_160, %add3A_163, %dma_start3A_170] : memref<784x1024x128xf32, #tpu.memory_space<hbm>> -> memref<1x1x128xf32, #tpu.memory_space<hbm>>
      %dma_start3A_172 = tpu.memref_squeeze %dma_start3A_171 : memref<1x1x128xf32, #tpu.memory_space<hbm>> -> memref<128xf32, #tpu.memory_space<hbm>>
      %dma_start3A_173 = arith.constant 0 : i32
      %dma_start3A_174 = tpu.memref_slice %arg6[%add3A_165, %dma_start3A_166, %dma_start3A_173] : memref<32x10x128xf32, #tpu.memory_space<vmem>> -> memref<1x1x128xf32, #tpu.memory_space<vmem>>
      %dma_start3A_175 = tpu.memref_squeeze %dma_start3A_174 : memref<1x1x128xf32, #tpu.memory_space<vmem>> -> memref<128xf32, #tpu.memory_space<vmem>>
      %dma_start3A_176 = arith.constant 0 : i32
      %dma_start3A_177 = tpu.memref_slice %arg2[%squeeze3A_160, %add3A_163, %dma_start3A_176] : memref<784x1024x128xf32, #tpu.memory_space<hbm>> -> memref<1x1x128xf32, #tpu.memory_space<hbm>>
      %dma_start3A_178 = tpu.memref_squeeze %dma_start3A_177 : memref<1x1x128xf32, #tpu.memory_space<hbm>> -> memref<128xf32, #tpu.memory_space<hbm>>
      tpu.enqueue_dma source(%dma_start3A_178 : memref<128xf32, #tpu.memory_space<hbm>>) target(%dma_start3A_175 : memref<128xf32, #tpu.memory_space<vmem>>) target_semaphore(%arg8 : memref<!tpu.dma_semaphore, #tpu.memory_space<semaphore_mem>>)
      %slice3A_179 = vector.extract_strided_slice %scan3A_36#1 {offsets = [10], sizes = [1], strides = [1]} : vector<16xi32> to vector<1xi32>
      %squeeze3A_180 = vector.extract %slice3A_179[0] : i32 from vector<1xi32>
      %add3A_181 = arith.addi %mul3A_2, %scan3A_26 : i32
      %dma_start3A_182 = arith.constant 4 : i32
      %dma_start3A_183 = arith.constant 0 : i32
      %dma_start3A_184 = tpu.memref_slice %arg6[%scan3A_26, %dma_start3A_182, %dma_start3A_183] : memref<32x10x128xf32, #tpu.memory_space<vmem>> -> memref<1x1x128xf32, #tpu.memory_space<vmem>>
      %dma_start3A_185 = tpu.memref_squeeze %dma_start3A_184 : memref<1x1x128xf32, #tpu.memory_space<vmem>> -> memref<128xf32, #tpu.memory_space<vmem>>
      %dma_start3A_186 = arith.constant 0 : i32
      %dma_start3A_187 = tpu.memref_slice %arg2[%squeeze3A_180, %add3A_181, %dma_start3A_186] : memref<784x1024x128xf32, #tpu.memory_space<hbm>> -> memref<1x1x128xf32, #tpu.memory_space<hbm>>
      %dma_start3A_188 = tpu.memref_squeeze %dma_start3A_187 : memref<1x1x128xf32, #tpu.memory_space<hbm>> -> memref<128xf32, #tpu.memory_space<hbm>>
      %dma_start3A_189 = arith.constant 0 : i32
      %dma_start3A_190 = tpu.memref_slice %arg6[%scan3A_26, %dma_start3A_182, %dma_start3A_189] : memref<32x10x128xf32, #tpu.memory_space<vmem>> -> memref<1x1x128xf32, #tpu.memory_space<vmem>>
      %dma_start3A_191 = tpu.memref_squeeze %dma_start3A_190 : memref<1x1x128xf32, #tpu.memory_space<vmem>> -> memref<128xf32, #tpu.memory_space<vmem>>
      %dma_start3A_192 = arith.constant 0 : i32
      %dma_start3A_193 = tpu.memref_slice %arg2[%squeeze3A_180, %add3A_181, %dma_start3A_192] : memref<784x1024x128xf32, #tpu.memory_space<hbm>> -> memref<1x1x128xf32, #tpu.memory_space<hbm>>
      %dma_start3A_194 = tpu.memref_squeeze %dma_start3A_193 : memref<1x1x128xf32, #tpu.memory_space<hbm>> -> memref<128xf32, #tpu.memory_space<hbm>>
      tpu.enqueue_dma source(%dma_start3A_194 : memref<128xf32, #tpu.memory_space<hbm>>) target(%dma_start3A_191 : memref<128xf32, #tpu.memory_space<vmem>>) target_semaphore(%arg8 : memref<!tpu.dma_semaphore, #tpu.memory_space<semaphore_mem>>)
      %slice3A_195 = vector.extract_strided_slice %scan3A_36#3 {offsets = [10], sizes = [1], strides = [1]} : vector<16xi32> to vector<1xi32>
      %squeeze3A_196 = vector.extract %slice3A_195[0] : i32 from vector<1xi32>
      %add3A_197 = arith.addi %mul3A_2, %scan3A_26 : i32
      %add3A_198 = arith.constant 16 : i32
      %add3A_199 = arith.addi %add3A_197, %add3A_198 : i32
      %add3A_200 = arith.constant 16 : i32
      %add3A_201 = arith.addi %scan3A_26, %add3A_200 : i32
      %dma_start3A_202 = arith.constant 4 : i32
      %dma_start3A_203 = arith.constant 0 : i32
      %dma_start3A_204 = tpu.memref_slice %arg6[%add3A_201, %dma_start3A_202, %dma_start3A_203] : memref<32x10x128xf32, #tpu.memory_space<vmem>> -> memref<1x1x128xf32, #tpu.memory_space<vmem>>
      %dma_start3A_205 = tpu.memref_squeeze %dma_start3A_204 : memref<1x1x128xf32, #tpu.memory_space<vmem>> -> memref<128xf32, #tpu.memory_space<vmem>>
      %dma_start3A_206 = arith.constant 0 : i32
      %dma_start3A_207 = tpu.memref_slice %arg2[%squeeze3A_196, %add3A_199, %dma_start3A_206] : memref<784x1024x128xf32, #tpu.memory_space<hbm>> -> memref<1x1x128xf32, #tpu.memory_space<hbm>>
      %dma_start3A_208 = tpu.memref_squeeze %dma_start3A_207 : memref<1x1x128xf32, #tpu.memory_space<hbm>> -> memref<128xf32, #tpu.memory_space<hbm>>
      %dma_start3A_209 = arith.constant 0 : i32
      %dma_start3A_210 = tpu.memref_slice %arg6[%add3A_201, %dma_start3A_202, %dma_start3A_209] : memref<32x10x128xf32, #tpu.memory_space<vmem>> -> memref<1x1x128xf32, #tpu.memory_space<vmem>>
      %dma_start3A_211 = tpu.memref_squeeze %dma_start3A_210 : memref<1x1x128xf32, #tpu.memory_space<vmem>> -> memref<128xf32, #tpu.memory_space<vmem>>
      %dma_start3A_212 = arith.constant 0 : i32
      %dma_start3A_213 = tpu.memref_slice %arg2[%squeeze3A_196, %add3A_199, %dma_start3A_212] : memref<784x1024x128xf32, #tpu.memory_space<hbm>> -> memref<1x1x128xf32, #tpu.memory_space<hbm>>
      %dma_start3A_214 = tpu.memref_squeeze %dma_start3A_213 : memref<1x1x128xf32, #tpu.memory_space<hbm>> -> memref<128xf32, #tpu.memory_space<hbm>>
      tpu.enqueue_dma source(%dma_start3A_214 : memref<128xf32, #tpu.memory_space<hbm>>) target(%dma_start3A_211 : memref<128xf32, #tpu.memory_space<vmem>>) target_semaphore(%arg8 : memref<!tpu.dma_semaphore, #tpu.memory_space<semaphore_mem>>)
      %slice3A_215 = vector.extract_strided_slice %scan3A_36#1 {offsets = [11], sizes = [1], strides = [1]} : vector<16xi32> to vector<1xi32>
      %squeeze3A_216 = vector.extract %slice3A_215[0] : i32 from vector<1xi32>
      %add3A_217 = arith.addi %mul3A_2, %scan3A_26 : i32
      %dma_start3A_218 = arith.constant 5 : i32
      %dma_start3A_219 = arith.constant 0 : i32
      %dma_start3A_220 = tpu.memref_slice %arg6[%scan3A_26, %dma_start3A_218, %dma_start3A_219] : memref<32x10x128xf32, #tpu.memory_space<vmem>> -> memref<1x1x128xf32, #tpu.memory_space<vmem>>
      %dma_start3A_221 = tpu.memref_squeeze %dma_start3A_220 : memref<1x1x128xf32, #tpu.memory_space<vmem>> -> memref<128xf32, #tpu.memory_space<vmem>>
      %dma_start3A_222 = arith.constant 0 : i32
      %dma_start3A_223 = tpu.memref_slice %arg2[%squeeze3A_216, %add3A_217, %dma_start3A_222] : memref<784x1024x128xf32, #tpu.memory_space<hbm>> -> memref<1x1x128xf32, #tpu.memory_space<hbm>>
      %dma_start3A_224 = tpu.memref_squeeze %dma_start3A_223 : memref<1x1x128xf32, #tpu.memory_space<hbm>> -> memref<128xf32, #tpu.memory_space<hbm>>
      %dma_start3A_225 = arith.constant 0 : i32
      %dma_start3A_226 = tpu.memref_slice %arg6[%scan3A_26, %dma_start3A_218, %dma_start3A_225] : memref<32x10x128xf32, #tpu.memory_space<vmem>> -> memref<1x1x128xf32, #tpu.memory_space<vmem>>
      %dma_start3A_227 = tpu.memref_squeeze %dma_start3A_226 : memref<1x1x128xf32, #tpu.memory_space<vmem>> -> memref<128xf32, #tpu.memory_space<vmem>>
      %dma_start3A_228 = arith.constant 0 : i32
      %dma_start3A_229 = tpu.memref_slice %arg2[%squeeze3A_216, %add3A_217, %dma_start3A_228] : memref<784x1024x128xf32, #tpu.memory_space<hbm>> -> memref<1x1x128xf32, #tpu.memory_space<hbm>>
      %dma_start3A_230 = tpu.memref_squeeze %dma_start3A_229 : memref<1x1x128xf32, #tpu.memory_space<hbm>> -> memref<128xf32, #tpu.memory_space<hbm>>
      tpu.enqueue_dma source(%dma_start3A_230 : memref<128xf32, #tpu.memory_space<hbm>>) target(%dma_start3A_227 : memref<128xf32, #tpu.memory_space<vmem>>) target_semaphore(%arg8 : memref<!tpu.dma_semaphore, #tpu.memory_space<semaphore_mem>>)
      %slice3A_231 = vector.extract_strided_slice %scan3A_36#3 {offsets = [11], sizes = [1], strides = [1]} : vector<16xi32> to vector<1xi32>
      %squeeze3A_232 = vector.extract %slice3A_231[0] : i32 from vector<1xi32>
      %add3A_233 = arith.addi %mul3A_2, %scan3A_26 : i32
      %add3A_234 = arith.constant 16 : i32
      %add3A_235 = arith.addi %add3A_233, %add3A_234 : i32
      %add3A_236 = arith.constant 16 : i32
      %add3A_237 = arith.addi %scan3A_26, %add3A_236 : i32
      %dma_start3A_238 = arith.constant 5 : i32
      %dma_start3A_239 = arith.constant 0 : i32
      %dma_start3A_240 = tpu.memref_slice %arg6[%add3A_237, %dma_start3A_238, %dma_start3A_239] : memref<32x10x128xf32, #tpu.memory_space<vmem>> -> memref<1x1x128xf32, #tpu.memory_space<vmem>>
      %dma_start3A_241 = tpu.memref_squeeze %dma_start3A_240 : memref<1x1x128xf32, #tpu.memory_space<vmem>> -> memref<128xf32, #tpu.memory_space<vmem>>
      %dma_start3A_242 = arith.constant 0 : i32
      %dma_start3A_243 = tpu.memref_slice %arg2[%squeeze3A_232, %add3A_235, %dma_start3A_242] : memref<784x1024x128xf32, #tpu.memory_space<hbm>> -> memref<1x1x128xf32, #tpu.memory_space<hbm>>
      %dma_start3A_244 = tpu.memref_squeeze %dma_start3A_243 : memref<1x1x128xf32, #tpu.memory_space<hbm>> -> memref<128xf32, #tpu.memory_space<hbm>>
      %dma_start3A_245 = arith.constant 0 : i32
      %dma_start3A_246 = tpu.memref_slice %arg6[%add3A_237, %dma_start3A_238, %dma_start3A_245] : memref<32x10x128xf32, #tpu.memory_space<vmem>> -> memref<1x1x128xf32, #tpu.memory_space<vmem>>
      %dma_start3A_247 = tpu.memref_squeeze %dma_start3A_246 : memref<1x1x128xf32, #tpu.memory_space<vmem>> -> memref<128xf32, #tpu.memory_space<vmem>>
      %dma_start3A_248 = arith.constant 0 : i32
      %dma_start3A_249 = tpu.memref_slice %arg2[%squeeze3A_232, %add3A_235, %dma_start3A_248] : memref<784x1024x128xf32, #tpu.memory_space<hbm>> -> memref<1x1x128xf32, #tpu.memory_space<hbm>>
      %dma_start3A_250 = tpu.memref_squeeze %dma_start3A_249 : memref<1x1x128xf32, #tpu.memory_space<hbm>> -> memref<128xf32, #tpu.memory_space<hbm>>
      tpu.enqueue_dma source(%dma_start3A_250 : memref<128xf32, #tpu.memory_space<hbm>>) target(%dma_start3A_247 : memref<128xf32, #tpu.memory_space<vmem>>) target_semaphore(%arg8 : memref<!tpu.dma_semaphore, #tpu.memory_space<semaphore_mem>>)
      %slice3A_251 = vector.extract_strided_slice %scan3A_36#1 {offsets = [12], sizes = [1], strides = [1]} : vector<16xi32> to vector<1xi32>
      %squeeze3A_252 = vector.extract %slice3A_251[0] : i32 from vector<1xi32>
      %add3A_253 = arith.addi %mul3A_2, %scan3A_26 : i32
      %dma_start3A_254 = arith.constant 6 : i32
      %dma_start3A_255 = arith.constant 0 : i32
      %dma_start3A_256 = tpu.memref_slice %arg6[%scan3A_26, %dma_start3A_254, %dma_start3A_255] : memref<32x10x128xf32, #tpu.memory_space<vmem>> -> memref<1x1x128xf32, #tpu.memory_space<vmem>>
      %dma_start3A_257 = tpu.memref_squeeze %dma_start3A_256 : memref<1x1x128xf32, #tpu.memory_space<vmem>> -> memref<128xf32, #tpu.memory_space<vmem>>
      %dma_start3A_258 = arith.constant 0 : i32
      %dma_start3A_259 = tpu.memref_slice %arg2[%squeeze3A_252, %add3A_253, %dma_start3A_258] : memref<784x1024x128xf32, #tpu.memory_space<hbm>> -> memref<1x1x128xf32, #tpu.memory_space<hbm>>
      %dma_start3A_260 = tpu.memref_squeeze %dma_start3A_259 : memref<1x1x128xf32, #tpu.memory_space<hbm>> -> memref<128xf32, #tpu.memory_space<hbm>>
      %dma_start3A_261 = arith.constant 0 : i32
      %dma_start3A_262 = tpu.memref_slice %arg6[%scan3A_26, %dma_start3A_254, %dma_start3A_261] : memref<32x10x128xf32, #tpu.memory_space<vmem>> -> memref<1x1x128xf32, #tpu.memory_space<vmem>>
      %dma_start3A_263 = tpu.memref_squeeze %dma_start3A_262 : memref<1x1x128xf32, #tpu.memory_space<vmem>> -> memref<128xf32, #tpu.memory_space<vmem>>
      %dma_start3A_264 = arith.constant 0 : i32
      %dma_start3A_265 = tpu.memref_slice %arg2[%squeeze3A_252, %add3A_253, %dma_start3A_264] : memref<784x1024x128xf32, #tpu.memory_space<hbm>> -> memref<1x1x128xf32, #tpu.memory_space<hbm>>
      %dma_start3A_266 = tpu.memref_squeeze %dma_start3A_265 : memref<1x1x128xf32, #tpu.memory_space<hbm>> -> memref<128xf32, #tpu.memory_space<hbm>>
      tpu.enqueue_dma source(%dma_start3A_266 : memref<128xf32, #tpu.memory_space<hbm>>) target(%dma_start3A_263 : memref<128xf32, #tpu.memory_space<vmem>>) target_semaphore(%arg8 : memref<!tpu.dma_semaphore, #tpu.memory_space<semaphore_mem>>)
      %slice3A_267 = vector.extract_strided_slice %scan3A_36#3 {offsets = [12], sizes = [1], strides = [1]} : vector<16xi32> to vector<1xi32>
      %squeeze3A_268 = vector.extract %slice3A_267[0] : i32 from vector<1xi32>
      %add3A_269 = arith.addi %mul3A_2, %scan3A_26 : i32
      %add3A_270 = arith.constant 16 : i32
      %add3A_271 = arith.addi %add3A_269, %add3A_270 : i32
      %add3A_272 = arith.constant 16 : i32
      %add3A_273 = arith.addi %scan3A_26, %add3A_272 : i32
      %dma_start3A_274 = arith.constant 6 : i32
      %dma_start3A_275 = arith.constant 0 : i32
      %dma_start3A_276 = tpu.memref_slice %arg6[%add3A_273, %dma_start3A_274, %dma_start3A_275] : memref<32x10x128xf32, #tpu.memory_space<vmem>> -> memref<1x1x128xf32, #tpu.memory_space<vmem>>
      %dma_start3A_277 = tpu.memref_squeeze %dma_start3A_276 : memref<1x1x128xf32, #tpu.memory_space<vmem>> -> memref<128xf32, #tpu.memory_space<vmem>>
      %dma_start3A_278 = arith.constant 0 : i32
      %dma_start3A_279 = tpu.memref_slice %arg2[%squeeze3A_268, %add3A_271, %dma_start3A_278] : memref<784x1024x128xf32, #tpu.memory_space<hbm>> -> memref<1x1x128xf32, #tpu.memory_space<hbm>>
      %dma_start3A_280 = tpu.memref_squeeze %dma_start3A_279 : memref<1x1x128xf32, #tpu.memory_space<hbm>> -> memref<128xf32, #tpu.memory_space<hbm>>
      %dma_start3A_281 = arith.constant 0 : i32
      %dma_start3A_282 = tpu.memref_slice %arg6[%add3A_273, %dma_start3A_274, %dma_start3A_281] : memref<32x10x128xf32, #tpu.memory_space<vmem>> -> memref<1x1x128xf32, #tpu.memory_space<vmem>>
      %dma_start3A_283 = tpu.memref_squeeze %dma_start3A_282 : memref<1x1x128xf32, #tpu.memory_space<vmem>> -> memref<128xf32, #tpu.memory_space<vmem>>
      %dma_start3A_284 = arith.constant 0 : i32
      %dma_start3A_285 = tpu.memref_slice %arg2[%squeeze3A_268, %add3A_271, %dma_start3A_284] : memref<784x1024x128xf32, #tpu.memory_space<hbm>> -> memref<1x1x128xf32, #tpu.memory_space<hbm>>
      %dma_start3A_286 = tpu.memref_squeeze %dma_start3A_285 : memref<1x1x128xf32, #tpu.memory_space<hbm>> -> memref<128xf32, #tpu.memory_space<hbm>>
      tpu.enqueue_dma source(%dma_start3A_286 : memref<128xf32, #tpu.memory_space<hbm>>) target(%dma_start3A_283 : memref<128xf32, #tpu.memory_space<vmem>>) target_semaphore(%arg8 : memref<!tpu.dma_semaphore, #tpu.memory_space<semaphore_mem>>)
      %slice3A_287 = vector.extract_strided_slice %scan3A_36#1 {offsets = [13], sizes = [1], strides = [1]} : vector<16xi32> to vector<1xi32>
      %squeeze3A_288 = vector.extract %slice3A_287[0] : i32 from vector<1xi32>
      %add3A_289 = arith.addi %mul3A_2, %scan3A_26 : i32
      %dma_start3A_290 = arith.constant 7 : i32
      %dma_start3A_291 = arith.constant 0 : i32
      %dma_start3A_292 = tpu.memref_slice %arg6[%scan3A_26, %dma_start3A_290, %dma_start3A_291] : memref<32x10x128xf32, #tpu.memory_space<vmem>> -> memref<1x1x128xf32, #tpu.memory_space<vmem>>
      %dma_start3A_293 = tpu.memref_squeeze %dma_start3A_292 : memref<1x1x128xf32, #tpu.memory_space<vmem>> -> memref<128xf32, #tpu.memory_space<vmem>>
      %dma_start3A_294 = arith.constant 0 : i32
      %dma_start3A_295 = tpu.memref_slice %arg2[%squeeze3A_288, %add3A_289, %dma_start3A_294] : memref<784x1024x128xf32, #tpu.memory_space<hbm>> -> memref<1x1x128xf32, #tpu.memory_space<hbm>>
      %dma_start3A_296 = tpu.memref_squeeze %dma_start3A_295 : memref<1x1x128xf32, #tpu.memory_space<hbm>> -> memref<128xf32, #tpu.memory_space<hbm>>
      %dma_start3A_297 = arith.constant 0 : i32
      %dma_start3A_298 = tpu.memref_slice %arg6[%scan3A_26, %dma_start3A_290, %dma_start3A_297] : memref<32x10x128xf32, #tpu.memory_space<vmem>> -> memref<1x1x128xf32, #tpu.memory_space<vmem>>
      %dma_start3A_299 = tpu.memref_squeeze %dma_start3A_298 : memref<1x1x128xf32, #tpu.memory_space<vmem>> -> memref<128xf32, #tpu.memory_space<vmem>>
      %dma_start3A_300 = arith.constant 0 : i32
      %dma_start3A_301 = tpu.memref_slice %arg2[%squeeze3A_288, %add3A_289, %dma_start3A_300] : memref<784x1024x128xf32, #tpu.memory_space<hbm>> -> memref<1x1x128xf32, #tpu.memory_space<hbm>>
      %dma_start3A_302 = tpu.memref_squeeze %dma_start3A_301 : memref<1x1x128xf32, #tpu.memory_space<hbm>> -> memref<128xf32, #tpu.memory_space<hbm>>
      tpu.enqueue_dma source(%dma_start3A_302 : memref<128xf32, #tpu.memory_space<hbm>>) target(%dma_start3A_299 : memref<128xf32, #tpu.memory_space<vmem>>) target_semaphore(%arg8 : memref<!tpu.dma_semaphore, #tpu.memory_space<semaphore_mem>>)
      %slice3A_303 = vector.extract_strided_slice %scan3A_36#3 {offsets = [13], sizes = [1], strides = [1]} : vector<16xi32> to vector<1xi32>
      %squeeze3A_304 = vector.extract %slice3A_303[0] : i32 from vector<1xi32>
      %add3A_305 = arith.addi %mul3A_2, %scan3A_26 : i32
      %add3A_306 = arith.constant 16 : i32
      %add3A_307 = arith.addi %add3A_305, %add3A_306 : i32
      %add3A_308 = arith.constant 16 : i32
      %add3A_309 = arith.addi %scan3A_26, %add3A_308 : i32
      %dma_start3A_310 = arith.constant 7 : i32
      %dma_start3A_311 = arith.constant 0 : i32
      %dma_start3A_312 = tpu.memref_slice %arg6[%add3A_309, %dma_start3A_310, %dma_start3A_311] : memref<32x10x128xf32, #tpu.memory_space<vmem>> -> memref<1x1x128xf32, #tpu.memory_space<vmem>>
      %dma_start3A_313 = tpu.memref_squeeze %dma_start3A_312 : memref<1x1x128xf32, #tpu.memory_space<vmem>> -> memref<128xf32, #tpu.memory_space<vmem>>
      %dma_start3A_314 = arith.constant 0 : i32
      %dma_start3A_315 = tpu.memref_slice %arg2[%squeeze3A_304, %add3A_307, %dma_start3A_314] : memref<784x1024x128xf32, #tpu.memory_space<hbm>> -> memref<1x1x128xf32, #tpu.memory_space<hbm>>
      %dma_start3A_316 = tpu.memref_squeeze %dma_start3A_315 : memref<1x1x128xf32, #tpu.memory_space<hbm>> -> memref<128xf32, #tpu.memory_space<hbm>>
      %dma_start3A_317 = arith.constant 0 : i32
      %dma_start3A_318 = tpu.memref_slice %arg6[%add3A_309, %dma_start3A_310, %dma_start3A_317] : memref<32x10x128xf32, #tpu.memory_space<vmem>> -> memref<1x1x128xf32, #tpu.memory_space<vmem>>
      %dma_start3A_319 = tpu.memref_squeeze %dma_start3A_318 : memref<1x1x128xf32, #tpu.memory_space<vmem>> -> memref<128xf32, #tpu.memory_space<vmem>>
      %dma_start3A_320 = arith.constant 0 : i32
      %dma_start3A_321 = tpu.memref_slice %arg2[%squeeze3A_304, %add3A_307, %dma_start3A_320] : memref<784x1024x128xf32, #tpu.memory_space<hbm>> -> memref<1x1x128xf32, #tpu.memory_space<hbm>>
      %dma_start3A_322 = tpu.memref_squeeze %dma_start3A_321 : memref<1x1x128xf32, #tpu.memory_space<hbm>> -> memref<128xf32, #tpu.memory_space<hbm>>
      tpu.enqueue_dma source(%dma_start3A_322 : memref<128xf32, #tpu.memory_space<hbm>>) target(%dma_start3A_319 : memref<128xf32, #tpu.memory_space<vmem>>) target_semaphore(%arg8 : memref<!tpu.dma_semaphore, #tpu.memory_space<semaphore_mem>>)
      %slice3A_323 = vector.extract_strided_slice %scan3A_36#1 {offsets = [14], sizes = [1], strides = [1]} : vector<16xi32> to vector<1xi32>
      %squeeze3A_324 = vector.extract %slice3A_323[0] : i32 from vector<1xi32>
      %add3A_325 = arith.addi %mul3A_2, %scan3A_26 : i32
      %dma_start3A_326 = arith.constant 8 : i32
      %dma_start3A_327 = arith.constant 0 : i32
      %dma_start3A_328 = tpu.memref_slice %arg6[%scan3A_26, %dma_start3A_326, %dma_start3A_327] : memref<32x10x128xf32, #tpu.memory_space<vmem>> -> memref<1x1x128xf32, #tpu.memory_space<vmem>>
      %dma_start3A_329 = tpu.memref_squeeze %dma_start3A_328 : memref<1x1x128xf32, #tpu.memory_space<vmem>> -> memref<128xf32, #tpu.memory_space<vmem>>
      %dma_start3A_330 = arith.constant 0 : i32
      %dma_start3A_331 = tpu.memref_slice %arg2[%squeeze3A_324, %add3A_325, %dma_start3A_330] : memref<784x1024x128xf32, #tpu.memory_space<hbm>> -> memref<1x1x128xf32, #tpu.memory_space<hbm>>
      %dma_start3A_332 = tpu.memref_squeeze %dma_start3A_331 : memref<1x1x128xf32, #tpu.memory_space<hbm>> -> memref<128xf32, #tpu.memory_space<hbm>>
      %dma_start3A_333 = arith.constant 0 : i32
      %dma_start3A_334 = tpu.memref_slice %arg6[%scan3A_26, %dma_start3A_326, %dma_start3A_333] : memref<32x10x128xf32, #tpu.memory_space<vmem>> -> memref<1x1x128xf32, #tpu.memory_space<vmem>>
      %dma_start3A_335 = tpu.memref_squeeze %dma_start3A_334 : memref<1x1x128xf32, #tpu.memory_space<vmem>> -> memref<128xf32, #tpu.memory_space<vmem>>
      %dma_start3A_336 = arith.constant 0 : i32
      %dma_start3A_337 = tpu.memref_slice %arg2[%squeeze3A_324, %add3A_325, %dma_start3A_336] : memref<784x1024x128xf32, #tpu.memory_space<hbm>> -> memref<1x1x128xf32, #tpu.memory_space<hbm>>
      %dma_start3A_338 = tpu.memref_squeeze %dma_start3A_337 : memref<1x1x128xf32, #tpu.memory_space<hbm>> -> memref<128xf32, #tpu.memory_space<hbm>>
      tpu.enqueue_dma source(%dma_start3A_338 : memref<128xf32, #tpu.memory_space<hbm>>) target(%dma_start3A_335 : memref<128xf32, #tpu.memory_space<vmem>>) target_semaphore(%arg8 : memref<!tpu.dma_semaphore, #tpu.memory_space<semaphore_mem>>)
      %slice3A_339 = vector.extract_strided_slice %scan3A_36#3 {offsets = [14], sizes = [1], strides = [1]} : vector<16xi32> to vector<1xi32>
      %squeeze3A_340 = vector.extract %slice3A_339[0] : i32 from vector<1xi32>
      %add3A_341 = arith.addi %mul3A_2, %scan3A_26 : i32
      %add3A_342 = arith.constant 16 : i32
      %add3A_343 = arith.addi %add3A_341, %add3A_342 : i32
      %add3A_344 = arith.constant 16 : i32
      %add3A_345 = arith.addi %scan3A_26, %add3A_344 : i32
      %dma_start3A_346 = arith.constant 8 : i32
      %dma_start3A_347 = arith.constant 0 : i32
      %dma_start3A_348 = tpu.memref_slice %arg6[%add3A_345, %dma_start3A_346, %dma_start3A_347] : memref<32x10x128xf32, #tpu.memory_space<vmem>> -> memref<1x1x128xf32, #tpu.memory_space<vmem>>
      %dma_start3A_349 = tpu.memref_squeeze %dma_start3A_348 : memref<1x1x128xf32, #tpu.memory_space<vmem>> -> memref<128xf32, #tpu.memory_space<vmem>>
      %dma_start3A_350 = arith.constant 0 : i32
      %dma_start3A_351 = tpu.memref_slice %arg2[%squeeze3A_340, %add3A_343, %dma_start3A_350] : memref<784x1024x128xf32, #tpu.memory_space<hbm>> -> memref<1x1x128xf32, #tpu.memory_space<hbm>>
      %dma_start3A_352 = tpu.memref_squeeze %dma_start3A_351 : memref<1x1x128xf32, #tpu.memory_space<hbm>> -> memref<128xf32, #tpu.memory_space<hbm>>
      %dma_start3A_353 = arith.constant 0 : i32
      %dma_start3A_354 = tpu.memref_slice %arg6[%add3A_345, %dma_start3A_346, %dma_start3A_353] : memref<32x10x128xf32, #tpu.memory_space<vmem>> -> memref<1x1x128xf32, #tpu.memory_space<vmem>>
      %dma_start3A_355 = tpu.memref_squeeze %dma_start3A_354 : memref<1x1x128xf32, #tpu.memory_space<vmem>> -> memref<128xf32, #tpu.memory_space<vmem>>
      %dma_start3A_356 = arith.constant 0 : i32
      %dma_start3A_357 = tpu.memref_slice %arg2[%squeeze3A_340, %add3A_343, %dma_start3A_356] : memref<784x1024x128xf32, #tpu.memory_space<hbm>> -> memref<1x1x128xf32, #tpu.memory_space<hbm>>
      %dma_start3A_358 = tpu.memref_squeeze %dma_start3A_357 : memref<1x1x128xf32, #tpu.memory_space<hbm>> -> memref<128xf32, #tpu.memory_space<hbm>>
      tpu.enqueue_dma source(%dma_start3A_358 : memref<128xf32, #tpu.memory_space<hbm>>) target(%dma_start3A_355 : memref<128xf32, #tpu.memory_space<vmem>>) target_semaphore(%arg8 : memref<!tpu.dma_semaphore, #tpu.memory_space<semaphore_mem>>)
      %slice3A_359 = vector.extract_strided_slice %scan3A_36#1 {offsets = [15], sizes = [1], strides = [1]} : vector<16xi32> to vector<1xi32>
      %squeeze3A_360 = vector.extract %slice3A_359[0] : i32 from vector<1xi32>
      %add3A_361 = arith.addi %mul3A_2, %scan3A_26 : i32
      %dma_start3A_362 = arith.constant 9 : i32
      %dma_start3A_363 = arith.constant 0 : i32
      %dma_start3A_364 = tpu.memref_slice %arg6[%scan3A_26, %dma_start3A_362, %dma_start3A_363] : memref<32x10x128xf32, #tpu.memory_space<vmem>> -> memref<1x1x128xf32, #tpu.memory_space<vmem>>
      %dma_start3A_365 = tpu.memref_squeeze %dma_start3A_364 : memref<1x1x128xf32, #tpu.memory_space<vmem>> -> memref<128xf32, #tpu.memory_space<vmem>>
      %dma_start3A_366 = arith.constant 0 : i32
      %dma_start3A_367 = tpu.memref_slice %arg2[%squeeze3A_360, %add3A_361, %dma_start3A_366] : memref<784x1024x128xf32, #tpu.memory_space<hbm>> -> memref<1x1x128xf32, #tpu.memory_space<hbm>>
      %dma_start3A_368 = tpu.memref_squeeze %dma_start3A_367 : memref<1x1x128xf32, #tpu.memory_space<hbm>> -> memref<128xf32, #tpu.memory_space<hbm>>
      %dma_start3A_369 = arith.constant 0 : i32
      %dma_start3A_370 = tpu.memref_slice %arg6[%scan3A_26, %dma_start3A_362, %dma_start3A_369] : memref<32x10x128xf32, #tpu.memory_space<vmem>> -> memref<1x1x128xf32, #tpu.memory_space<vmem>>
      %dma_start3A_371 = tpu.memref_squeeze %dma_start3A_370 : memref<1x1x128xf32, #tpu.memory_space<vmem>> -> memref<128xf32, #tpu.memory_space<vmem>>
      %dma_start3A_372 = arith.constant 0 : i32
      %dma_start3A_373 = tpu.memref_slice %arg2[%squeeze3A_360, %add3A_361, %dma_start3A_372] : memref<784x1024x128xf32, #tpu.memory_space<hbm>> -> memref<1x1x128xf32, #tpu.memory_space<hbm>>
      %dma_start3A_374 = tpu.memref_squeeze %dma_start3A_373 : memref<1x1x128xf32, #tpu.memory_space<hbm>> -> memref<128xf32, #tpu.memory_space<hbm>>
      tpu.enqueue_dma source(%dma_start3A_374 : memref<128xf32, #tpu.memory_space<hbm>>) target(%dma_start3A_371 : memref<128xf32, #tpu.memory_space<vmem>>) target_semaphore(%arg8 : memref<!tpu.dma_semaphore, #tpu.memory_space<semaphore_mem>>)
      %slice3A_375 = vector.extract_strided_slice %scan3A_36#3 {offsets = [15], sizes = [1], strides = [1]} : vector<16xi32> to vector<1xi32>
      %squeeze3A_376 = vector.extract %slice3A_375[0] : i32 from vector<1xi32>
      %add3A_377 = arith.addi %mul3A_2, %scan3A_26 : i32
      %add3A_378 = arith.constant 16 : i32
      %add3A_379 = arith.addi %add3A_377, %add3A_378 : i32
      %add3A_380 = arith.constant 16 : i32
      %add3A_381 = arith.addi %scan3A_26, %add3A_380 : i32
      %dma_start3A_382 = arith.constant 9 : i32
      %dma_start3A_383 = arith.constant 0 : i32
      %dma_start3A_384 = tpu.memref_slice %arg6[%add3A_381, %dma_start3A_382, %dma_start3A_383] : memref<32x10x128xf32, #tpu.memory_space<vmem>> -> memref<1x1x128xf32, #tpu.memory_space<vmem>>
      %dma_start3A_385 = tpu.memref_squeeze %dma_start3A_384 : memref<1x1x128xf32, #tpu.memory_space<vmem>> -> memref<128xf32, #tpu.memory_space<vmem>>
      %dma_start3A_386 = arith.constant 0 : i32
      %dma_start3A_387 = tpu.memref_slice %arg2[%squeeze3A_376, %add3A_379, %dma_start3A_386] : memref<784x1024x128xf32, #tpu.memory_space<hbm>> -> memref<1x1x128xf32, #tpu.memory_space<hbm>>
      %dma_start3A_388 = tpu.memref_squeeze %dma_start3A_387 : memref<1x1x128xf32, #tpu.memory_space<hbm>> -> memref<128xf32, #tpu.memory_space<hbm>>
      %dma_start3A_389 = arith.constant 0 : i32
      %dma_start3A_390 = tpu.memref_slice %arg6[%add3A_381, %dma_start3A_382, %dma_start3A_389] : memref<32x10x128xf32, #tpu.memory_space<vmem>> -> memref<1x1x128xf32, #tpu.memory_space<vmem>>
      %dma_start3A_391 = tpu.memref_squeeze %dma_start3A_390 : memref<1x1x128xf32, #tpu.memory_space<vmem>> -> memref<128xf32, #tpu.memory_space<vmem>>
      %dma_start3A_392 = arith.constant 0 : i32
      %dma_start3A_393 = tpu.memref_slice %arg2[%squeeze3A_376, %add3A_379, %dma_start3A_392] : memref<784x1024x128xf32, #tpu.memory_space<hbm>> -> memref<1x1x128xf32, #tpu.memory_space<hbm>>
      %dma_start3A_394 = tpu.memref_squeeze %dma_start3A_393 : memref<1x1x128xf32, #tpu.memory_space<hbm>> -> memref<128xf32, #tpu.memory_space<hbm>>
      tpu.enqueue_dma source(%dma_start3A_394 : memref<128xf32, #tpu.memory_space<hbm>>) target(%dma_start3A_391 : memref<128xf32, #tpu.memory_space<vmem>>) target_semaphore(%arg8 : memref<!tpu.dma_semaphore, #tpu.memory_space<semaphore_mem>>)
      %scan3A_395 = arith.constant 0 : i32
      scf.yield %scan3A_395 : i32
    }
    %scan3A_8 = arith.constant 16 : i32
    %scan3A_9 = arith.constant 0 : i32
    %scan3A_10 = arith.constant 0 : i32
    %scan3A_11 = arith.constant 32 : i32
    %scan3A_12 = arith.addi %scan3A_10, %scan3A_11 : i32
    %scan3A_13 = arith.constant 1 : i32
    %scan3A_14 = scf.for %scan3A_26 = %scan3A_10 to %scan3A_12 step %scan3A_13 iter_args(%scan3A_27 = %scan3A_9) -> (i32)  : i32 {
      %dma_wait3A = arith.constant 0 : i32
      %dma_wait3A_28 = arith.constant 0 : i32
      %dma_wait3A_29 = arith.constant 0 : i32
      %dma_wait3A_30 = tpu.memref_slice %arg6[%scan3A_26, %dma_wait3A_28, %dma_wait3A_29] : memref<32x10x128xf32, #tpu.memory_space<vmem>> -> memref<1x10x128xf32, #tpu.memory_space<vmem>>
      %dma_wait3A_31 = tpu.memref_squeeze %dma_wait3A_30 : memref<1x10x128xf32, #tpu.memory_space<vmem>> -> memref<10x128xf32, #tpu.memory_space<vmem>>
      %dma_wait3A_32 = arith.constant 0 : i32
      %dma_wait3A_33 = arith.constant 0 : i32
      %dma_wait3A_34 = tpu.memref_slice %arg2[%dma_wait3A, %dma_wait3A_32, %dma_wait3A_33] : memref<784x1024x128xf32, #tpu.memory_space<hbm>> -> memref<1x10x128xf32, #tpu.memory_space<hbm>>
      %dma_wait3A_35 = tpu.memref_squeeze %dma_wait3A_34 : memref<1x10x128xf32, #tpu.memory_space<hbm>> -> memref<10x128xf32, #tpu.memory_space<hbm>>
      %dma_wait3A_36 = arith.constant 0 : i32
      %dma_wait3A_37 = arith.constant 0 : i32
      %dma_wait3A_38 = tpu.memref_slice %arg6[%scan3A_26, %dma_wait3A_36, %dma_wait3A_37] : memref<32x10x128xf32, #tpu.memory_space<vmem>> -> memref<1x10x128xf32, #tpu.memory_space<vmem>>
      %dma_wait3A_39 = tpu.memref_squeeze %dma_wait3A_38 : memref<1x10x128xf32, #tpu.memory_space<vmem>> -> memref<10x128xf32, #tpu.memory_space<vmem>>
      %dma_wait3A_40 = arith.constant 0 : i32
      %dma_wait3A_41 = arith.constant 0 : i32
      %dma_wait3A_42 = tpu.memref_slice %arg2[%dma_wait3A, %dma_wait3A_40, %dma_wait3A_41] : memref<784x1024x128xf32, #tpu.memory_space<hbm>> -> memref<1x10x128xf32, #tpu.memory_space<hbm>>
      %dma_wait3A_43 = tpu.memref_squeeze %dma_wait3A_42 : memref<1x10x128xf32, #tpu.memory_space<hbm>> -> memref<10x128xf32, #tpu.memory_space<hbm>>
      tpu.wait_dma2 semaphore(%arg8 : memref<!tpu.dma_semaphore, #tpu.memory_space<semaphore_mem>>) src(%dma_wait3A_43 : memref<10x128xf32, #tpu.memory_space<hbm>>) dst(%dma_wait3A_39 : memref<10x128xf32, #tpu.memory_space<vmem>>)
      %scan3A_44 = arith.constant 0 : i32
      scf.yield %scan3A_44 : i32
    }
    %scan3A_15 = arith.constant 32 : i32
    %broadcast_in_dim3A = arith.constant 0.000000e+00 : f32
    %broadcast_in_dim3A_16 = vector.broadcast %broadcast_in_dim3A : f32 to vector<16xf32>
    %scan3A_17 = arith.constant 0 : i32
    %scan3A_18 = arith.constant 16 : i32
    %scan3A_19 = arith.addi %scan3A_17, %scan3A_18 : i32
    %scan3A_20 = arith.constant 1 : i32
    %scan3A_21:2 = scf.for %scan3A_26 = %scan3A_17 to %scan3A_19 step %scan3A_20 iter_args(%scan3A_27 = %broadcast_in_dim3A_16, %scan3A_28 = %broadcast_in_dim3A_16) -> (vector<16xf32>, vector<16xf32>)  : i32 {
      %broadcast_in_dim3A_29 = arith.constant -3.000000e+38 : f32
      %broadcast_in_dim3A_30 = vector.broadcast %broadcast_in_dim3A_29 : f32 to vector<16xf32>
      %scan3A_31 = arith.constant 0 : i32
      %scan3A_32 = arith.constant 10 : i32
      %scan3A_33 = arith.addi %scan3A_31, %scan3A_32 : i32
      %scan3A_34 = arith.constant 1 : i32
      %scan3A_35:2 = scf.for %scan3A_52 = %scan3A_31 to %scan3A_33 step %scan3A_34 iter_args(%scan3A_53 = %broadcast_in_dim3A_30, %scan3A_54 = %broadcast_in_dim3A_30) -> (vector<16xf32>, vector<16xf32>)  : i32 {
        %scan3A_55 = arith.constant 0 : i32
        %scan3A_56 = arith.constant 8 : i32
        %scan3A_57 = arith.addi %scan3A_55, %scan3A_56 : i32
        %scan3A_58 = arith.constant 1 : i32
        %scan3A_59:2 = scf.for %scan3A_61 = %scan3A_55 to %scan3A_57 step %scan3A_58 iter_args(%scan3A_62 = %scan3A_53, %scan3A_63 = %scan3A_54) -> (vector<16xf32>, vector<16xf32>)  : i32 {
          %mul3A_64 = arith.constant 16 : i32
          %mul3A_65 = arith.muli %scan3A_61, %mul3A_64 : i32
          %get3A = arith.index_cast %scan3A_26 : i32 to index
          %get3A_66 = arith.index_cast %scan3A_52 : i32 to index
          %get3A_67 = arith.index_cast %mul3A_65 : i32 to index
          %get3A_68 = tpu.vector_load %arg6[%get3A, %get3A_66, %get3A_67] {strides = array<i32>} : memref<32x10x128xf32, #tpu.memory_space<vmem>>, vector<16xf32>,
          %sort3A = arith.constant dense<true> : vector<16xi1>
          %sort3A_69, %sort3A_70, %sort3A_71 = tpu.sort %get3A_68, %get3A_68 masked %sort3A : (vector<16xf32>, vector<16xf32>, vector<16xi1>) -> (vector<16xi1>, vector<16xf32>, vector<16xf32>)
          %rev3A = arith.constant 15 : i32
          %rev3A_72 = vector.broadcast %rev3A : i32 to vector<16xi32>
          %rev3A_73 = tpu.iota {dimensions = array<i32: 0>} : vector<16xi32>
          %rev3A_74 = arith.subi %rev3A_72, %rev3A_73 : vector<16xi32>
          %rev3A_75 = tpu.dynamic_gather %sort3A_70[%rev3A_74] in [0] : vector<16xf32>, vector<16xi32> -> vector<16xf32>
          %max3A = arith.maximumf %scan3A_62, %rev3A_75 : vector<16xf32>
          %sort3A_76 = arith.constant dense<true> : vector<16xi1>
          %sort3A_77, %sort3A_78, %sort3A_79 = tpu.sort %max3A, %max3A masked %sort3A_76 : (vector<16xf32>, vector<16xf32>, vector<16xi1>) -> (vector<16xi1>, vector<16xf32>, vector<16xf32>)
          %add3A_80 = arith.constant 16 : i32
          %add3A_81 = arith.addi %scan3A_26, %add3A_80 : i32
          %mul3A_82 = arith.constant 16 : i32
          %mul3A_83 = arith.muli %scan3A_61, %mul3A_82 : i32
          %get3A_84 = arith.index_cast %add3A_81 : i32 to index
          %get3A_85 = arith.index_cast %scan3A_52 : i32 to index
          %get3A_86 = arith.index_cast %mul3A_83 : i32 to index
          %get3A_87 = tpu.vector_load %arg6[%get3A_84, %get3A_85, %get3A_86] {strides = array<i32>} : memref<32x10x128xf32, #tpu.memory_space<vmem>>, vector<16xf32>,
          %sort3A_88 = arith.constant dense<true> : vector<16xi1>
          %sort3A_89, %sort3A_90, %sort3A_91 = tpu.sort %get3A_87, %get3A_87 masked %sort3A_88 : (vector<16xf32>, vector<16xf32>, vector<16xi1>) -> (vector<16xi1>, vector<16xf32>, vector<16xf32>)
          %rev3A_92 = arith.constant 15 : i32
          %rev3A_93 = vector.broadcast %rev3A_92 : i32 to vector<16xi32>
          %rev3A_94 = tpu.iota {dimensions = array<i32: 0>} : vector<16xi32>
          %rev3A_95 = arith.subi %rev3A_93, %rev3A_94 : vector<16xi32>
          %rev3A_96 = tpu.dynamic_gather %sort3A_90[%rev3A_95] in [0] : vector<16xf32>, vector<16xi32> -> vector<16xf32>
          %max3A_97 = arith.maximumf %scan3A_63, %rev3A_96 : vector<16xf32>
          %sort3A_98 = arith.constant dense<true> : vector<16xi1>
          %sort3A_99, %sort3A_100, %sort3A_101 = tpu.sort %max3A_97, %max3A_97 masked %sort3A_98 : (vector<16xf32>, vector<16xf32>, vector<16xi1>) -> (vector<16xi1>, vector<16xf32>, vector<16xf32>)
          scf.yield %sort3A_78, %sort3A_100 : vector<16xf32>, vector<16xf32>
        }
        %scan3A_60 = arith.constant 8 : i32
        scf.yield %scan3A_59#0, %scan3A_59#1 : vector<16xf32>, vector<16xf32>
      }
      %scan3A_36 = arith.constant 10 : i32
      %iota3A = tpu.iota {dimensions = array<i32: 0>} : vector<16xi32>
      %eq3A = vector.broadcast %scan3A_26 : i32 to vector<16xi32>
      %eq3A_37 = arith.cmpi eq, %iota3A, %eq3A : vector<16xi32>
      %slice3A = vector.extract_strided_slice %scan3A_35#0 {offsets = [6], sizes = [1], strides = [1]} : vector<16xf32> to vector<1xf32>
      %squeeze3A = vector.extract %slice3A[0] : f32 from vector<1xf32>
      %mul3A_38 = arith.constant 2.000000e+00 : f32
      %mul3A_39 = arith.mulf %mul3A_38, %squeeze3A : f32
      %sub3A = arith.constant 2.000000e+00 : f32
      %sub3A_40 = arith.subf %sub3A, %mul3A_39 : f32
      %broadcast_in_dim3A_41 = vector.broadcast %sub3A_40 : f32 to vector<16xf32>
      %select_n3A = arith.select %eq3A_37, %broadcast_in_dim3A_41, %scan3A_27 : vector<16xi1>, vector<16xf32>
      %eq3A_42 = vector.broadcast %scan3A_26 : i32 to vector<16xi32>
      %eq3A_43 = arith.cmpi eq, %iota3A, %eq3A_42 : vector<16xi32>
      %slice3A_44 = vector.extract_strided_slice %scan3A_35#1 {offsets = [6], sizes = [1], strides = [1]} : vector<16xf32> to vector<1xf32>
      %squeeze3A_45 = vector.extract %slice3A_44[0] : f32 from vector<1xf32>
      %mul3A_46 = arith.constant 2.000000e+00 : f32
      %mul3A_47 = arith.mulf %mul3A_46, %squeeze3A_45 : f32
      %sub3A_48 = arith.constant 2.000000e+00 : f32
      %sub3A_49 = arith.subf %sub3A_48, %mul3A_47 : f32
      %broadcast_in_dim3A_50 = vector.broadcast %sub3A_49 : f32 to vector<16xf32>
      %select_n3A_51 = arith.select %eq3A_43, %broadcast_in_dim3A_50, %scan3A_28 : vector<16xi1>, vector<16xf32>
      scf.yield %select_n3A, %select_n3A_51 : vector<16xf32>, vector<16xf32>
    }
    %scan3A_22 = arith.constant 16 : i32
    %swap3A = arith.constant 0 : index
    %swap3A_23 = tpu.vector_load %arg7[%swap3A] {strides = array<i32>} : memref<32xf32, #tpu.memory_space<vmem>>, vector<16xf32>,
    tpu.vector_store %arg7[%swap3A], %scan3A_21#0 {strides = array<i32>} : memref<32xf32, #tpu.memory_space<vmem>>, vector<16xf32>,
    %swap3A_24 = arith.constant 16 : index
    %swap3A_25 = tpu.vector_load %arg7[%swap3A_24] {strides = array<i32>} : memref<32xf32, #tpu.memory_space<vmem>>, vector<16xf32>,
    tpu.vector_store %arg7[%swap3A_24], %scan3A_21#1 {strides = array<i32>} : memref<32xf32, #tpu.memory_space<vmem>>, vector<16xf32>,
    "tpu.region"() ({
      %run_scoped3A = tpu.sem_alloc : memref<!tpu.dma_semaphore, #tpu.memory_space<semaphore_mem>>
      %dma_start3A = tpu.memref_slice %arg4[%mul3A_2] : memref<1024xf32, #tpu.memory_space<hbm>> -> memref<32xf32, #tpu.memory_space<hbm>>
      %dma_start3A_26 = tpu.memref_slice %arg4[%mul3A_2] : memref<1024xf32, #tpu.memory_space<hbm>> -> memref<32xf32, #tpu.memory_space<hbm>>
      tpu.enqueue_dma source(%arg7 : memref<32xf32, #tpu.memory_space<vmem>>) target(%dma_start3A_26 : memref<32xf32, #tpu.memory_space<hbm>>) target_semaphore(%run_scoped3A : memref<!tpu.dma_semaphore, #tpu.memory_space<semaphore_mem>>)
      %dma_wait3A = tpu.memref_slice %arg4[%mul3A_2] : memref<1024xf32, #tpu.memory_space<hbm>> -> memref<32xf32, #tpu.memory_space<hbm>>
      %dma_wait3A_27 = tpu.memref_slice %arg4[%mul3A_2] : memref<1024xf32, #tpu.memory_space<hbm>> -> memref<32xf32, #tpu.memory_space<hbm>>
      tpu.wait_dma2 semaphore(%run_scoped3A : memref<!tpu.dma_semaphore, #tpu.memory_space<semaphore_mem>>) src(%arg7 : memref<32xf32, #tpu.memory_space<vmem>>) dst(%dma_wait3A_27 : memref<32xf32, #tpu.memory_space<hbm>>)
      tpu.yield
    }) : () -> ()
    return
  }
}

module attributes {stable_mosaic.version = 14 : i64} {
  func.func @_score_kernel(%arg0: i32, %arg1: memref<1024x64xf32, #tpu.memory_space<vmem>>, %arg2: memref<2048x64xf32, #tpu.memory_space<vmem>>, %arg3: memref<16x1024x128xf32, #tpu.memory_space<vmem>>, %arg4: memref<1x1024x128xf32, #tpu.memory_space<vmem>>, %arg5: memref<1024x64xf32, #tpu.memory_space<vmem>>) attributes {dimension_semantics = [#tpu.dimension_semantics<arbitrary>], iteration_bounds = array<i64: 49>, scalar_prefetch = 0 : i64, scratch_operands = 1 : i64, tpu.core_type = #tpu.core_type<tc>, window_params = [{pipeline_mode = #tpu.pipeline_mode<synchronous>, transform_indices = @transform_0, window_bounds = array<i64: 1024, 64>}, {transform_indices = @transform_1, window_bounds = array<i64: 2048, 64>}, {transform_indices = @transform_2, window_bounds = array<i64: 16, 1024, 128>}, {transform_indices = @transform_3, window_bounds = array<i64: 1, 1024, 128>}]} {
    %eq3A = arith.constant 0 : i32
    %eq3A_0 = arith.cmpi eq, %arg0, %eq3A : i32
    %convert_element_type3A = arith.extui %eq3A_0 : i1 to i32
    %cond3A = arith.constant 0 : i32
    %cond3A_1 = arith.cmpi ne, %convert_element_type3A, %cond3A : i32
    scf.if %cond3A_1 {
      %get3A_150 = arith.constant 0 : index
      %get3A_151 = arith.constant 0 : index
      %get3A_152 = vector.load %arg1[%get3A_150, %get3A_151] : memref<1024x64xf32, #tpu.memory_space<vmem>>, vector<1024x64xf32>
      %mul3A_153 = arith.mulf %get3A_152, %get3A_152 : vector<1024x64xf32>
      %reduce_sum3A_154 = arith.constant dense<0.000000e+00> : vector<1024xf32>
      %reduce_sum3A_155 = vector.multi_reduction <add>, %mul3A_153, %reduce_sum3A_154 [1] : vector<1024x64xf32> to vector<1024xf32>
      %broadcast_in_dim3A_156 = vector.shape_cast %reduce_sum3A_155 : vector<1024xf32> to vector<1024x1xf32>
      %rsqrt3A_157 = math.rsqrt %broadcast_in_dim3A_156 : vector<1024x1xf32>
      %mul3A_158 = vector.broadcast %rsqrt3A_157 : vector<1024x1xf32> to vector<1024x64xf32>
      %mul3A_159 = arith.mulf %get3A_152, %mul3A_158 : vector<1024x64xf32>
      %swap3A_160 = arith.constant 0 : index
      %swap3A_161 = arith.constant 0 : index
      %swap3A_162 = vector.load %arg5[%swap3A_160, %swap3A_161] : memref<1024x64xf32, #tpu.memory_space<vmem>>, vector<1024x64xf32>
      tpu.vector_store %arg5[%swap3A_160, %swap3A_161], %mul3A_159 {strides = array<i32>} : memref<1024x64xf32, #tpu.memory_space<vmem>>, vector<1024x64xf32>,
    } else {
    }
    %get3A = arith.constant 0 : index
    %get3A_2 = arith.constant 0 : index
    %get3A_3 = vector.load %arg5[%get3A, %get3A_2] : memref<1024x64xf32, #tpu.memory_space<vmem>>, vector<1024x64xf32>
    %get3A_4 = arith.constant 0 : index
    %get3A_5 = arith.constant 0 : index
    %get3A_6 = vector.load %arg2[%get3A_4, %get3A_5] : memref<2048x64xf32, #tpu.memory_space<vmem>>, vector<2048x64xf32>
    %mul3A = arith.mulf %get3A_6, %get3A_6 : vector<2048x64xf32>
    %reduce_sum3A = arith.constant dense<0.000000e+00> : vector<2048xf32>
    %reduce_sum3A_7 = vector.multi_reduction <add>, %mul3A, %reduce_sum3A [1] : vector<2048x64xf32> to vector<2048xf32>
    %broadcast_in_dim3A = vector.shape_cast %reduce_sum3A_7 : vector<2048xf32> to vector<2048x1xf32>
    %max3A = arith.constant 1.000000e-30 : f32
    %max3A_8 = vector.broadcast %max3A : f32 to vector<2048x1xf32>
    %max3A_9 = arith.maximumf %broadcast_in_dim3A, %max3A_8 : vector<2048x1xf32>
    %rsqrt3A = math.rsqrt %max3A_9 : vector<2048x1xf32>
    %mul3A_10 = vector.broadcast %rsqrt3A : vector<2048x1xf32> to vector<2048x64xf32>
    %mul3A_11 = arith.mulf %get3A_6, %mul3A_10 : vector<2048x64xf32>
    %eq3A_12 = arith.constant 48 : i32
    %eq3A_13 = arith.cmpi eq, %arg0, %eq3A_12 : i32
    %slice3A = vector.extract_strided_slice %mul3A_11 {offsets = [0, 0], sizes = [128, 64], strides = [1, 1]} : vector<2048x64xf32> to vector<128x64xf32>
    %dot_general3A = arith.constant dense<0.000000e+00> : vector<1024x128xf32>
    %dot_general3A_14 = tpu.matmul %get3A_3, %slice3A, %dot_general3A {dimension_numbers = #tpu.dot_dimension_numbers<[1], [1], [0], [0], [0, 0, 1, 0], [], []>, transpose_lhs_hint = false} : vector<1024x64xf32>, vector<128x64xf32>, vector<1024x128xf32> -> vector<1024x128xf32>
    %reduce_max3A = arith.constant dense<0xFF800000> : vector<1024xf32>
    %reduce_max3A_15 = vector.multi_reduction <maximumf>, %dot_general3A_14, %reduce_max3A [1] : vector<1024x128xf32> to vector<1024xf32>
    %broadcast_in_dim3A_16 = vector.shape_cast %reduce_max3A_15 : vector<1024xf32> to vector<1024x1xf32>
    %slice3A_17 = vector.extract_strided_slice %mul3A_11 {offsets = [128, 0], sizes = [128, 64], strides = [1, 1]} : vector<2048x64xf32> to vector<128x64xf32>
    %dot_general3A_18 = arith.constant dense<0.000000e+00> : vector<1024x128xf32>
    %dot_general3A_19 = tpu.matmul %get3A_3, %slice3A_17, %dot_general3A_18 {dimension_numbers = #tpu.dot_dimension_numbers<[1], [1], [0], [0], [0, 0, 1, 0], [], []>, transpose_lhs_hint = false} : vector<1024x64xf32>, vector<128x64xf32>, vector<1024x128xf32> -> vector<1024x128xf32>
    %reduce_max3A_20 = arith.constant dense<0xFF800000> : vector<1024xf32>
    %reduce_max3A_21 = vector.multi_reduction <maximumf>, %dot_general3A_19, %reduce_max3A_20 [1] : vector<1024x128xf32> to vector<1024xf32>
    %broadcast_in_dim3A_22 = vector.shape_cast %reduce_max3A_21 : vector<1024xf32> to vector<1024x1xf32>
    %slice3A_23 = vector.extract_strided_slice %mul3A_11 {offsets = [256, 0], sizes = [128, 64], strides = [1, 1]} : vector<2048x64xf32> to vector<128x64xf32>
    %dot_general3A_24 = arith.constant dense<0.000000e+00> : vector<1024x128xf32>
    %dot_general3A_25 = tpu.matmul %get3A_3, %slice3A_23, %dot_general3A_24 {dimension_numbers = #tpu.dot_dimension_numbers<[1], [1], [0], [0], [0, 0, 1, 0], [], []>, transpose_lhs_hint = false} : vector<1024x64xf32>, vector<128x64xf32>, vector<1024x128xf32> -> vector<1024x128xf32>
    %reduce_max3A_26 = arith.constant dense<0xFF800000> : vector<1024xf32>
    %reduce_max3A_27 = vector.multi_reduction <maximumf>, %dot_general3A_25, %reduce_max3A_26 [1] : vector<1024x128xf32> to vector<1024xf32>
    %broadcast_in_dim3A_28 = vector.shape_cast %reduce_max3A_27 : vector<1024xf32> to vector<1024x1xf32>
    %slice3A_29 = vector.extract_strided_slice %mul3A_11 {offsets = [384, 0], sizes = [128, 64], strides = [1, 1]} : vector<2048x64xf32> to vector<128x64xf32>
    %dot_general3A_30 = arith.constant dense<0.000000e+00> : vector<1024x128xf32>
    %dot_general3A_31 = tpu.matmul %get3A_3, %slice3A_29, %dot_general3A_30 {dimension_numbers = #tpu.dot_dimension_numbers<[1], [1], [0], [0], [0, 0, 1, 0], [], []>, transpose_lhs_hint = false} : vector<1024x64xf32>, vector<128x64xf32>, vector<1024x128xf32> -> vector<1024x128xf32>
    %reduce_max3A_32 = arith.constant dense<0xFF800000> : vector<1024xf32>
    %reduce_max3A_33 = vector.multi_reduction <maximumf>, %dot_general3A_31, %reduce_max3A_32 [1] : vector<1024x128xf32> to vector<1024xf32>
    %broadcast_in_dim3A_34 = vector.shape_cast %reduce_max3A_33 : vector<1024xf32> to vector<1024x1xf32>
    %slice3A_35 = vector.extract_strided_slice %mul3A_11 {offsets = [512, 0], sizes = [128, 64], strides = [1, 1]} : vector<2048x64xf32> to vector<128x64xf32>
    %dot_general3A_36 = arith.constant dense<0.000000e+00> : vector<1024x128xf32>
    %dot_general3A_37 = tpu.matmul %get3A_3, %slice3A_35, %dot_general3A_36 {dimension_numbers = #tpu.dot_dimension_numbers<[1], [1], [0], [0], [0, 0, 1, 0], [], []>, transpose_lhs_hint = false} : vector<1024x64xf32>, vector<128x64xf32>, vector<1024x128xf32> -> vector<1024x128xf32>
    %reduce_max3A_38 = arith.constant dense<0xFF800000> : vector<1024xf32>
    %reduce_max3A_39 = vector.multi_reduction <maximumf>, %dot_general3A_37, %reduce_max3A_38 [1] : vector<1024x128xf32> to vector<1024xf32>
    %broadcast_in_dim3A_40 = vector.shape_cast %reduce_max3A_39 : vector<1024xf32> to vector<1024x1xf32>
    %slice3A_41 = vector.extract_strided_slice %mul3A_11 {offsets = [640, 0], sizes = [128, 64], strides = [1, 1]} : vector<2048x64xf32> to vector<128x64xf32>
    %dot_general3A_42 = arith.constant dense<0.000000e+00> : vector<1024x128xf32>
    %dot_general3A_43 = tpu.matmul %get3A_3, %slice3A_41, %dot_general3A_42 {dimension_numbers = #tpu.dot_dimension_numbers<[1], [1], [0], [0], [0, 0, 1, 0], [], []>, transpose_lhs_hint = false} : vector<1024x64xf32>, vector<128x64xf32>, vector<1024x128xf32> -> vector<1024x128xf32>
    %reduce_max3A_44 = arith.constant dense<0xFF800000> : vector<1024xf32>
    %reduce_max3A_45 = vector.multi_reduction <maximumf>, %dot_general3A_43, %reduce_max3A_44 [1] : vector<1024x128xf32> to vector<1024xf32>
    %broadcast_in_dim3A_46 = vector.shape_cast %reduce_max3A_45 : vector<1024xf32> to vector<1024x1xf32>
    %slice3A_47 = vector.extract_strided_slice %mul3A_11 {offsets = [768, 0], sizes = [128, 64], strides = [1, 1]} : vector<2048x64xf32> to vector<128x64xf32>
    %dot_general3A_48 = arith.constant dense<0.000000e+00> : vector<1024x128xf32>
    %dot_general3A_49 = tpu.matmul %get3A_3, %slice3A_47, %dot_general3A_48 {dimension_numbers = #tpu.dot_dimension_numbers<[1], [1], [0], [0], [0, 0, 1, 0], [], []>, transpose_lhs_hint = false} : vector<1024x64xf32>, vector<128x64xf32>, vector<1024x128xf32> -> vector<1024x128xf32>
    %reduce_max3A_50 = arith.constant dense<0xFF800000> : vector<1024xf32>
    %reduce_max3A_51 = vector.multi_reduction <maximumf>, %dot_general3A_49, %reduce_max3A_50 [1] : vector<1024x128xf32> to vector<1024xf32>
    %broadcast_in_dim3A_52 = vector.shape_cast %reduce_max3A_51 : vector<1024xf32> to vector<1024x1xf32>
    %slice3A_53 = vector.extract_strided_slice %mul3A_11 {offsets = [896, 0], sizes = [128, 64], strides = [1, 1]} : vector<2048x64xf32> to vector<128x64xf32>
    %dot_general3A_54 = arith.constant dense<0.000000e+00> : vector<1024x128xf32>
    %dot_general3A_55 = tpu.matmul %get3A_3, %slice3A_53, %dot_general3A_54 {dimension_numbers = #tpu.dot_dimension_numbers<[1], [1], [0], [0], [0, 0, 1, 0], [], []>, transpose_lhs_hint = false} : vector<1024x64xf32>, vector<128x64xf32>, vector<1024x128xf32> -> vector<1024x128xf32>
    %reduce_max3A_56 = arith.constant dense<0xFF800000> : vector<1024xf32>
    %reduce_max3A_57 = vector.multi_reduction <maximumf>, %dot_general3A_55, %reduce_max3A_56 [1] : vector<1024x128xf32> to vector<1024xf32>
    %broadcast_in_dim3A_58 = vector.shape_cast %reduce_max3A_57 : vector<1024xf32> to vector<1024x1xf32>
    %slice3A_59 = vector.extract_strided_slice %mul3A_11 {offsets = [1024, 0], sizes = [128, 64], strides = [1, 1]} : vector<2048x64xf32> to vector<128x64xf32>
    %dot_general3A_60 = arith.constant dense<0.000000e+00> : vector<1024x128xf32>
    %dot_general3A_61 = tpu.matmul %get3A_3, %slice3A_59, %dot_general3A_60 {dimension_numbers = #tpu.dot_dimension_numbers<[1], [1], [0], [0], [0, 0, 1, 0], [], []>, transpose_lhs_hint = false} : vector<1024x64xf32>, vector<128x64xf32>, vector<1024x128xf32> -> vector<1024x128xf32>
    %reduce_max3A_62 = arith.constant dense<0xFF800000> : vector<1024xf32>
    %reduce_max3A_63 = vector.multi_reduction <maximumf>, %dot_general3A_61, %reduce_max3A_62 [1] : vector<1024x128xf32> to vector<1024xf32>
    %broadcast_in_dim3A_64 = vector.shape_cast %reduce_max3A_63 : vector<1024xf32> to vector<1024x1xf32>
    %slice3A_65 = vector.extract_strided_slice %mul3A_11 {offsets = [1152, 0], sizes = [128, 64], strides = [1, 1]} : vector<2048x64xf32> to vector<128x64xf32>
    %dot_general3A_66 = arith.constant dense<0.000000e+00> : vector<1024x128xf32>
    %dot_general3A_67 = tpu.matmul %get3A_3, %slice3A_65, %dot_general3A_66 {dimension_numbers = #tpu.dot_dimension_numbers<[1], [1], [0], [0], [0, 0, 1, 0], [], []>, transpose_lhs_hint = false} : vector<1024x64xf32>, vector<128x64xf32>, vector<1024x128xf32> -> vector<1024x128xf32>
    %reduce_max3A_68 = arith.constant dense<0xFF800000> : vector<1024xf32>
    %reduce_max3A_69 = vector.multi_reduction <maximumf>, %dot_general3A_67, %reduce_max3A_68 [1] : vector<1024x128xf32> to vector<1024xf32>
    %broadcast_in_dim3A_70 = vector.shape_cast %reduce_max3A_69 : vector<1024xf32> to vector<1024x1xf32>
    %slice3A_71 = vector.extract_strided_slice %mul3A_11 {offsets = [1280, 0], sizes = [128, 64], strides = [1, 1]} : vector<2048x64xf32> to vector<128x64xf32>
    %dot_general3A_72 = arith.constant dense<0.000000e+00> : vector<1024x128xf32>
    %dot_general3A_73 = tpu.matmul %get3A_3, %slice3A_71, %dot_general3A_72 {dimension_numbers = #tpu.dot_dimension_numbers<[1], [1], [0], [0], [0, 0, 1, 0], [], []>, transpose_lhs_hint = false} : vector<1024x64xf32>, vector<128x64xf32>, vector<1024x128xf32> -> vector<1024x128xf32>
    %reduce_max3A_74 = arith.constant dense<0xFF800000> : vector<1024xf32>
    %reduce_max3A_75 = vector.multi_reduction <maximumf>, %dot_general3A_73, %reduce_max3A_74 [1] : vector<1024x128xf32> to vector<1024xf32>
    %broadcast_in_dim3A_76 = vector.shape_cast %reduce_max3A_75 : vector<1024xf32> to vector<1024x1xf32>
    %slice3A_77 = vector.extract_strided_slice %mul3A_11 {offsets = [1408, 0], sizes = [128, 64], strides = [1, 1]} : vector<2048x64xf32> to vector<128x64xf32>
    %dot_general3A_78 = arith.constant dense<0.000000e+00> : vector<1024x128xf32>
    %dot_general3A_79 = tpu.matmul %get3A_3, %slice3A_77, %dot_general3A_78 {dimension_numbers = #tpu.dot_dimension_numbers<[1], [1], [0], [0], [0, 0, 1, 0], [], []>, transpose_lhs_hint = false} : vector<1024x64xf32>, vector<128x64xf32>, vector<1024x128xf32> -> vector<1024x128xf32>
    %reduce_max3A_80 = arith.constant dense<0xFF800000> : vector<1024xf32>
    %reduce_max3A_81 = vector.multi_reduction <maximumf>, %dot_general3A_79, %reduce_max3A_80 [1] : vector<1024x128xf32> to vector<1024xf32>
    %broadcast_in_dim3A_82 = vector.shape_cast %reduce_max3A_81 : vector<1024xf32> to vector<1024x1xf32>
    %slice3A_83 = vector.extract_strided_slice %mul3A_11 {offsets = [1536, 0], sizes = [128, 64], strides = [1, 1]} : vector<2048x64xf32> to vector<128x64xf32>
    %dot_general3A_84 = arith.constant dense<0.000000e+00> : vector<1024x128xf32>
    %dot_general3A_85 = tpu.matmul %get3A_3, %slice3A_83, %dot_general3A_84 {dimension_numbers = #tpu.dot_dimension_numbers<[1], [1], [0], [0], [0, 0, 1, 0], [], []>, transpose_lhs_hint = false} : vector<1024x64xf32>, vector<128x64xf32>, vector<1024x128xf32> -> vector<1024x128xf32>
    %reduce_max3A_86 = arith.constant dense<0xFF800000> : vector<1024xf32>
    %reduce_max3A_87 = vector.multi_reduction <maximumf>, %dot_general3A_85, %reduce_max3A_86 [1] : vector<1024x128xf32> to vector<1024xf32>
    %broadcast_in_dim3A_88 = vector.shape_cast %reduce_max3A_87 : vector<1024xf32> to vector<1024x1xf32>
    %slice3A_89 = vector.extract_strided_slice %mul3A_11 {offsets = [1664, 0], sizes = [128, 64], strides = [1, 1]} : vector<2048x64xf32> to vector<128x64xf32>
    %dot_general3A_90 = arith.constant dense<0.000000e+00> : vector<1024x128xf32>
    %dot_general3A_91 = tpu.matmul %get3A_3, %slice3A_89, %dot_general3A_90 {dimension_numbers = #tpu.dot_dimension_numbers<[1], [1], [0], [0], [0, 0, 1, 0], [], []>, transpose_lhs_hint = false} : vector<1024x64xf32>, vector<128x64xf32>, vector<1024x128xf32> -> vector<1024x128xf32>
    %iota3A = tpu.iota {dimensions = array<i32: 1>} : vector<1024x128xi32>
    %mul3A_92 = arith.constant 2048 : i32
    %mul3A_93 = arith.muli %arg0, %mul3A_92 : i32
    %add3A = vector.broadcast %mul3A_93 : i32 to vector<1024x128xi32>
    %add3A_94 = arith.addi %iota3A, %add3A : vector<1024x128xi32>
    %add3A_95 = arith.constant 1664 : i32
    %add3A_96 = vector.broadcast %add3A_95 : i32 to vector<1024x128xi32>
    %add3A_97 = arith.addi %add3A_94, %add3A_96 : vector<1024x128xi32>
    %lt3A = arith.constant 100000 : i32
    %lt3A_98 = vector.broadcast %lt3A : i32 to vector<1024x128xi32>
    %lt3A_99 = arith.cmpi slt, %add3A_97, %lt3A_98 : vector<1024x128xi32>
    %jit3A = arith.constant -3.000000e+38 : f32
    %broadcast_in_dim3A_100 = vector.broadcast %jit3A : f32 to vector<1024x128xf32>
    %select_n3A = arith.select %lt3A_99, %dot_general3A_91, %broadcast_in_dim3A_100 : vector<1024x128xi1>, vector<1024x128xf32>
    %reduce_max3A_101 = arith.constant dense<0xFF800000> : vector<1024xf32>
    %reduce_max3A_102 = vector.multi_reduction <maximumf>, %select_n3A, %reduce_max3A_101 [1] : vector<1024x128xf32> to vector<1024xf32>
    %broadcast_in_dim3A_103 = vector.shape_cast %reduce_max3A_102 : vector<1024xf32> to vector<1024x1xf32>
    %slice3A_104 = vector.extract_strided_slice %mul3A_11 {offsets = [1792, 0], sizes = [128, 64], strides = [1, 1]} : vector<2048x64xf32> to vector<128x64xf32>
    %dot_general3A_105 = arith.constant dense<0.000000e+00> : vector<1024x128xf32>
    %dot_general3A_106 = tpu.matmul %get3A_3, %slice3A_104, %dot_general3A_105 {dimension_numbers = #tpu.dot_dimension_numbers<[1], [1], [0], [0], [0, 0, 1, 0], [], []>, transpose_lhs_hint = false} : vector<1024x64xf32>, vector<128x64xf32>, vector<1024x128xf32> -> vector<1024x128xf32>
    %reduce_max3A_107 = arith.constant dense<0xFF800000> : vector<1024xf32>
    %reduce_max3A_108 = vector.multi_reduction <maximumf>, %dot_general3A_106, %reduce_max3A_107 [1] : vector<1024x128xf32> to vector<1024xf32>
    %broadcast_in_dim3A_109 = vector.shape_cast %reduce_max3A_108 : vector<1024xf32> to vector<1024x1xf32>
    %broadcast_in_dim3A_110 = arith.constant -3.000000e+38 : f32
    %broadcast_in_dim3A_111 = vector.broadcast %broadcast_in_dim3A_110 : f32 to vector<1024x1xf32>
    %select_n3A_112 = arith.select %eq3A_13, %broadcast_in_dim3A_111, %broadcast_in_dim3A_109 : vector<1024x1xf32>
    %slice3A_113 = vector.extract_strided_slice %mul3A_11 {offsets = [1920, 0], sizes = [128, 64], strides = [1, 1]} : vector<2048x64xf32> to vector<128x64xf32>
    %dot_general3A_114 = arith.constant dense<0.000000e+00> : vector<1024x128xf32>
    %dot_general3A_115 = tpu.matmul %get3A_3, %slice3A_113, %dot_general3A_114 {dimension_numbers = #tpu.dot_dimension_numbers<[1], [1], [0], [0], [0, 0, 1, 0], [], []>, transpose_lhs_hint = false} : vector<1024x64xf32>, vector<128x64xf32>, vector<1024x128xf32> -> vector<1024x128xf32>
    %reduce_max3A_116 = arith.constant dense<0xFF800000> : vector<1024xf32>
    %reduce_max3A_117 = vector.multi_reduction <maximumf>, %dot_general3A_115, %reduce_max3A_116 [1] : vector<1024x128xf32> to vector<1024xf32>
    %broadcast_in_dim3A_118 = vector.shape_cast %reduce_max3A_117 : vector<1024xf32> to vector<1024x1xf32>
    %broadcast_in_dim3A_119 = arith.constant -3.000000e+38 : f32
    %broadcast_in_dim3A_120 = vector.broadcast %broadcast_in_dim3A_119 : f32 to vector<1024x1xf32>
    %select_n3A_121 = arith.select %eq3A_13, %broadcast_in_dim3A_120, %broadcast_in_dim3A_118 : vector<1024x1xf32>
    %stack3A = vector.shape_cast %dot_general3A_14 : vector<1024x128xf32> to vector<1x1024x128xf32>
    %stack3A_122 = vector.shape_cast %dot_general3A_19 : vector<1024x128xf32> to vector<1x1024x128xf32>
    %stack3A_123 = vector.shape_cast %dot_general3A_25 : vector<1024x128xf32> to vector<1x1024x128xf32>
    %stack3A_124 = vector.shape_cast %dot_general3A_31 : vector<1024x128xf32> to vector<1x1024x128xf32>
    %stack3A_125 = vector.shape_cast %dot_general3A_37 : vector<1024x128xf32> to vector<1x1024x128xf32>
    %stack3A_126 = vector.shape_cast %dot_general3A_43 : vector<1024x128xf32> to vector<1x1024x128xf32>
    %stack3A_127 = vector.shape_cast %dot_general3A_49 : vector<1024x128xf32> to vector<1x1024x128xf32>
    %stack3A_128 = vector.shape_cast %dot_general3A_55 : vector<1024x128xf32> to vector<1x1024x128xf32>
    %stack3A_129 = vector.shape_cast %dot_general3A_61 : vector<1024x128xf32> to vector<1x1024x128xf32>
    %stack3A_130 = vector.shape_cast %dot_general3A_67 : vector<1024x128xf32> to vector<1x1024x128xf32>
    %stack3A_131 = vector.shape_cast %dot_general3A_73 : vector<1024x128xf32> to vector<1x1024x128xf32>
    %stack3A_132 = vector.shape_cast %dot_general3A_79 : vector<1024x128xf32> to vector<1x1024x128xf32>
    %stack3A_133 = vector.shape_cast %dot_general3A_85 : vector<1024x128xf32> to vector<1x1024x128xf32>
    %stack3A_134 = vector.shape_cast %select_n3A : vector<1024x128xf32> to vector<1x1024x128xf32>
    %stack3A_135 = vector.shape_cast %dot_general3A_106 : vector<1024x128xf32> to vector<1x1024x128xf32>
    %stack3A_136 = vector.shape_cast %dot_general3A_115 : vector<1024x128xf32> to vector<1x1024x128xf32>
    %stack3A_137 = tpu.concatenate %stack3A, %stack3A_122, %stack3A_123, %stack3A_124, %stack3A_125, %stack3A_126, %stack3A_127, %stack3A_128, %stack3A_129, %stack3A_130, %stack3A_131, %stack3A_132, %stack3A_133, %stack3A_134, %stack3A_135, %stack3A_136 in 0 : vector<1x1024x128xf32>, vector<1x1024x128xf32>, vector<1x1024x128xf32>, vector<1x1024x128xf32>, vector<1x1024x128xf32>, vector<1x1024x128xf32>, vector<1x1024x128xf32>, vector<1x1024x128xf32>, vector<1x1024x128xf32>, vector<1x1024x128xf32>, vector<1x1024x128xf32>, vector<1x1024x128xf32>, vector<1x1024x128xf32>, vector<1x1024x128xf32>, vector<1x1024x128xf32>, vector<1x1024x128xf32> -> vector<16x1024x128xf32>
    %swap3A = arith.constant 0 : index
    %swap3A_138 = arith.constant 0 : index
    %swap3A_139 = arith.constant 0 : index
    %swap3A_140 = vector.load %arg3[%swap3A, %swap3A_138, %swap3A_139] : memref<16x1024x128xf32, #tpu.memory_space<vmem>>, vector<16x1024x128xf32>
    tpu.vector_store %arg3[%swap3A, %swap3A_138, %swap3A_139], %stack3A_137 {strides = array<i32>} : memref<16x1024x128xf32, #tpu.memory_space<vmem>>, vector<16x1024x128xf32>,
    %concatenate3A = tpu.concatenate %broadcast_in_dim3A_16, %broadcast_in_dim3A_22, %broadcast_in_dim3A_28, %broadcast_in_dim3A_34, %broadcast_in_dim3A_40, %broadcast_in_dim3A_46, %broadcast_in_dim3A_52, %broadcast_in_dim3A_58, %broadcast_in_dim3A_64, %broadcast_in_dim3A_70, %broadcast_in_dim3A_76, %broadcast_in_dim3A_82, %broadcast_in_dim3A_88, %broadcast_in_dim3A_103, %select_n3A_112, %select_n3A_121 in 1 : vector<1024x1xf32>, vector<1024x1xf32>, vector<1024x1xf32>, vector<1024x1xf32>, vector<1024x1xf32>, vector<1024x1xf32>, vector<1024x1xf32>, vector<1024x1xf32>, vector<1024x1xf32>, vector<1024x1xf32>, vector<1024x1xf32>, vector<1024x1xf32>, vector<1024x1xf32>, vector<1024x1xf32>, vector<1024x1xf32>, vector<1024x1xf32> -> vector<1024x16xf32>
    %broadcast_in_dim3A_141 = arith.constant -3.000000e+38 : f32
    %broadcast_in_dim3A_142 = vector.broadcast %broadcast_in_dim3A_141 : f32 to vector<1024x112xf32>
    %concatenate3A_143 = tpu.concatenate %concatenate3A, %broadcast_in_dim3A_142 in 1 : vector<1024x16xf32>, vector<1024x112xf32> -> vector<1024x128xf32>
    %swap3A_144 = arith.constant 0 : index
    %swap3A_145 = arith.constant 0 : index
    %swap3A_146 = arith.constant 0 : index
    %swap3A_147 = vector.load %arg4[%swap3A_144, %swap3A_145, %swap3A_146] : memref<1x1024x128xf32, #tpu.memory_space<vmem>>, vector<1x1024x128xf32>
    %swap3A_148 = vector.shape_cast %swap3A_147 : vector<1x1024x128xf32> to vector<1024x128xf32>
    %swap3A_149 = vector.shape_cast %concatenate3A_143 : vector<1024x128xf32> to vector<1x1024x128xf32>
    tpu.vector_store %arg4[%swap3A_144, %swap3A_145, %swap3A_146], %swap3A_149 {strides = array<i32>} : memref<1x1024x128xf32, #tpu.memory_space<vmem>>, vector<1x1024x128xf32>,
    return
  }
  func.func @transform_0(%arg0: i32) -> (i32, i32) {
    %c0_i32 = arith.constant 0 : i32
    %c0_i32_0 = arith.constant 0 : i32
    %c0_i32_1 = arith.constant 0 : i32
    return %c0_i32, %c0_i32_0 : i32, i32
  }
  func.func @transform_1(%arg0: i32) -> (i32, i32) {
    %c0_i32 = arith.constant 0 : i32
    %c0_i32_0 = arith.constant 0 : i32
    return %arg0, %c0_i32 : i32, i32
  }
  func.func @transform_2(%arg0: i32) -> (i32, i32, i32) {
    %c0_i32 = arith.constant 0 : i32
    %c0_i32_0 = arith.constant 0 : i32
    %c0_i32_1 = arith.constant 0 : i32
    return %arg0, %c0_i32, %c0_i32_0 : i32, i32, i32
  }
  func.func @transform_3(%arg0: i32) -> (i32, i32, i32) {
    %c0_i32 = arith.constant 0 : i32
    %c0_i32_0 = arith.constant 0 : i32
    %c0_i32_1 = arith.constant 0 : i32
    return %arg0, %c0_i32, %c0_i32_0 : i32, i32, i32
  }
}

</mosaic_0001>

<sc_bundles>
// kernel: kernel.4.cloned.1.call-start
scs
__scs_entry_jumppad:
0x0: {  	(pc) =	sbr.rel $0x88, $3  }
0x1: {  	(tag) =	ssettag $0x0;
	lr =	simm.s32 $0x1  }
0x2: {  	[smem:$0x3F9F] =	sst lr;
	_ =	strace $0xD0000000  }
0x3: {  	_ = 	snop  }
0x4: {  	_ = 	snop  }
0x5: {  	_ = 	snop  }
0x6: {  	_ = 	snop  }
0x7: {  	_ = 	snop  }
__scs_overlays_trampoline_lowered:
0x8: {  	[smem:$0x3FAE] =	sst s0  }
0x9: {  	[smem:$0x3FAF] =	sst s1  }
0xa: {  	[smem:$0x3FB0] =	sst s2  }
0xb: {  	[smem:$0x3FB1] =	sst s3  }
0xc: {  	[smem:$0x3FB2] =	sst s4  }
0xd: {  	[smem:$0x3FB3] =	sst s5  }
0xe: {  	[smem:$0x3FB4] =	sst s6  }
0xf: {  	[smem:$0x3FB5] =	sst s7  }
0x10: {  	[smem:$0x3FB6] =	sst s8  }
0x11: {  	[smem:$0x3FB7] =	sst s9;
	s0 =	simm.s32 @!p0 $0x0  }
0x12: {  	s1 =	sld [smem:$0x3F9D];
	s0 =	simm.s32 @p0 $0x1  }
0x13: {  	[smem:$0x3FB8] =	sst s0;
	s0 =	simm.s32 @!p1 $0x0  }
0x14: {  	s2 =	sld [smem:$0x3F9C];
	s0 =	simm.s32 @p1 $0x1  }
0x15: {  	[smem:$0x3FB9] =	sst s0;
	s0 =	simm.s32 @!p2 $0x0  }
0x16: {  	s3 =	sld [smem:$0x3FDB];
	s0 =	simm.s32 @p2 $0x1  }
0x17: {  	s4 =	simm.s32 $0x1BF5;
	[smem:$0x3FBB] =	sst s0  }
0x18: {  	s0 =	sld [smem:$0x3F9E];
	_ =	swait.ge [sflag:s4], $0x0  }
0x19: {  	s7 =	sld [smem:$0x3F9F]  }
0x1a: {  	s8 =	sadd.s32 $0xFFFFE003, lr  }
0x1b: {  	s9 =	sadd.s32 $0xFFFFFEF7, lr;
	s5 =	simm.s32 $0xFFFFFFFF;
	p2 =	slt.u32 s8, $0xFFFFF086  }
0x1c: {  	p1 =	slt.u32 s9, $0xF7A;
	s5 =	simm.s32 @!p2 $0x0  }
0x1d: {  	s5 =	simm.s32 @p1 $0x1;
	p0 =	seq.s32 s7, s2  }
0x1e: {  	s7 =	smul.u32 @!p0 $0xF7A, s2;
	p2 =	seq.s32 @!p0 s5, $0x0  }
0x1f: {  	s9 =	smul.u32 $0xF7A, s1;
	s8 =	simm.s32 @!p0 $0x1BF5;
	p2 =	por !p2, p0  }
0x20: {  	[sflag:s8] =	ssyncset.s32 @!p0 $0xFFFFF086;
	s6 =	sadd.s32 @!p0 s3, s7;
	s7 =	simm.s32 @!p0 $0x108  }
0x21: {  	s3 =	sadd.s32 s3, s9;
	s6 =	sadd.s32 @!p0 $0x88, s6;
	s7 =	simm.s32 @p2 $0x1082  }
0x22: {  	[simem:s7], [sflag:s8] =	dma.local @!p0 [hbm:s6], $0xF7A  }
0x23: {  	s9 =	sor.u32 $0xD0000000, s2;
	s6 =	simm.s32 $0x108;
	_ =	swait.ge @!p0 [sflag:s8], $0x0  }
0x24: {  	s3 =	sadd.s32 $0x88, s3;
	s6 =	simm.s32 @!p1 $0x1082;
	[sflag:s4] =	ssyncset.s32 $0xFFFFF086  }
0x25: {  	[simem:s6], [sflag:s4] =	dma.local [hbm:s3], $0xF7A  }
0x26: {  	[smem:$0x3F9F] =	sst s1;
	(tag) =	ssettag s2;
	_ =	strace s9  }
0x27: {  	s1 =	sld [smem:$0x3FAF]  }
0x28: {  	s2 =	sld [smem:$0x3FB0]  }
0x29: {  	s4 =	sld [smem:$0x3FB2]  }
0x2a: {  	p0 =	seq.s32 s5, $0x0;
	s5 =	sld [smem:$0x3FB3]  }
0x2b: {  	s6 =	sld [smem:$0x3FB4]  }
0x2c: {  	s7 =	sld [smem:$0x3FB5]  }
0x2d: {  	s3 =	simm.s32 $0x108;
	s8 =	sld [smem:$0x3FB6]  }
0x2e: {  	s3 =	simm.s32 @!p0 $0x1082;
	s9 =	sld [smem:$0x3FB7]  }
0x2f: {  	lr =	sadd.s32 s0, s3;
	s0 =	sld [smem:$0x3FAE]  }
0x30: {  	s3 =	sld [smem:$0x3FB1]  }
0x31: {  	[smem:$0x3FBA] =	sst s10  }
0x32: {  	s10 =	sld [smem:$0x3FB8];
	_ =	sdelay $0x3  }
0x33: {  	p0 =	seq.s32 s10, $0x1;
	s10 =	sld [smem:$0x3FBA];
	_ =	sdelay $0x3  }
0x34: {  	[smem:$0x3FBA] =	sst s10  }
0x35: {  	s10 =	sld [smem:$0x3FB9];
	_ =	sdelay $0x3  }
0x36: {  	p1 =	seq.s32 s10, $0x1;
	s10 =	sld [smem:$0x3FBA];
	_ =	sdelay $0x3  }
0x37: {  	[smem:$0x3FBA] =	sst s10  }
0x38: {  	s10 =	sld [smem:$0x3FBB]  }
0x39: {  	_ = 	snop;
	(pc) =	sbr.ind lr, $3  }
0x3a: {  	_ = 	snop  }
0x3b: {  	_ = 	snop  }
0x3c: {  	p2 =	seq.s32 s10, $0x1;
	s10 =	sld [smem:$0x3FBA]  }
0x3d: {  	_ =	shalt  }
0x3e: {  	_ =	shalt  }
0x3f: {  	_ =	shalt  }
0x40: {  	_ =	shalt  }
0x41: {  	_ =	shalt  }
0x42: {  	_ =	shalt  }
0x43: {  	_ =	shalt  }
0x44: {  	_ =	shalt  }
0x45: {  	_ =	shalt  }
0x46: {  	_ =	shalt  }
0x47: {  	_ =	shalt  }
0x48: {  	_ =	shalt  }
0x49: {  	_ =	shalt  }
0x4a: {  	_ =	shalt  }
0x4b: {  	_ =	shalt  }
0x4c: {  	_ =	shalt  }
0x4d: {  	_ =	shalt  }
0x4e: {  	_ =	shalt  }
0x4f: {  	_ =	shalt  }
0x50: {  	_ =	shalt  }
0x51: {  	_ =	shalt  }
0x52: {  	_ =	shalt  }
0x53: {  	_ =	shalt  }
0x54: {  	_ =	shalt  }
0x55: {  	_ =	shalt  }
0x56: {  	_ =	shalt  }
0x57: {  	_ =	shalt  }
0x58: {  	_ =	shalt  }
0x59: {  	_ =	shalt  }
0x5a: {  	_ =	shalt  }
0x5b: {  	_ =	shalt  }
0x5c: {  	_ =	shalt  }
0x5d: {  	_ =	shalt  }
0x5e: {  	_ =	shalt  }
0x5f: {  	_ =	shalt  }
0x60: {  	_ =	shalt  }
0x61: {  	_ =	shalt  }
0x62: {  	_ =	shalt  }
0x63: {  	_ =	shalt  }
0x64: {  	_ =	shalt  }
0x65: {  	_ =	shalt  }
0x66: {  	_ =	shalt  }
0x67: {  	_ =	shalt  }
0x68: {  	_ =	shalt  }
0x69: {  	_ =	shalt  }
0x6a: {  	_ =	shalt  }
0x6b: {  	_ =	shalt  }
0x6c: {  	_ =	shalt  }
0x6d: {  	_ =	shalt  }
0x6e: {  	_ =	shalt  }
0x6f: {  	_ =	shalt  }
0x70: {  	_ =	shalt  }
0x71: {  	_ =	shalt  }
0x72: {  	_ =	shalt  }
0x73: {  	_ =	shalt  }
0x74: {  	_ =	shalt  }
0x75: {  	_ =	shalt  }
0x76: {  	_ =	shalt  }
0x77: {  	_ =	shalt  }
0x78: {  	_ =	shalt  }
0x79: {  	_ =	shalt  }
0x7a: {  	_ =	shalt  }
0x7b: {  	_ =	shalt  }
0x7c: {  	_ =	shalt  }
0x7d: {  	_ =	shalt  }
0x7e: {  	_ =	shalt  }
0x7f: {  	_ =	shalt  }
0x80: {  	_ =	shalt  }
0x81: {  	_ =	shalt  }
0x82: {  	_ =	shalt  }
0x83: {  	_ =	shalt  }
0x84: {  	_ =	shalt  }
0x85: {  	_ =	shalt  }
0x86: {  	_ =	shalt  }
0x87: {  	_ =	shalt  }
.Lfunc_end0:
.L_simem_size_0:
called_computation_lowered:
.L_overlay_start_0:
0x88: {  	s2 =	sld [smem:$0x3FD9]  }
0x89: {  	s3 =	sld [smem:$0x3FFE];
	_ =	sdelay $0x1  }
0x8a: {  	s1 =	srdreg.scid  }
0x8b: {  	s0 =	sand.u32 $0x1, s1  }
0x8c: {  	s17 =	sshll.u32 s0, $0xA;
	s2 =	sadd.s32 s3, s2  }
0x8d: {  	s2 =	sadd.s32 s2, s17  }
0x8e: {  	[smem:$0x3FC6] =	sst s2  }
0x8f: {  	_ = 	snop  }
0x90: {  	s2 =	sld [smem:$0x3FD0];
	(tm) =	ssettm $0x1  }
0x91: {  	s18 =	sld [smem:$0x3FFB];
	_ =	sdelay $0x3  }
0x92: {  	_ =	strace s18  }
0x93: {  	s3 =	sld [smem:$0x3FFC];
	_ =	sdelay $0x3  }
0x94: {  	_ =	strace s3  }
0x95: {  	s3 =	sld [smem:$0x3FFD];
	_ =	sdelay $0x3  }
0x96: {  	_ =	strace s3  }
0x97: {  	_ =	strace $0x8FFFFFFF  }
0x98: {  	s19 =	sld [smem:$0x3FDB];
	_ =	sdelay $0x1  }
0x99: {  	s4 =	simm.s32 $_scs_section_size  }
0x9a: {  	s5 =	simm.s32 $_size__tile_overlayer_lowered;
	s6 =	simm.s32 $_tile_overlayer_lowered  }
0x9b: {  	s22 =	simm.s32 $0x1BFF;
	s21 =	sshll.u32 s6, $0x1;
	s3 =	sadd.s32 s4, s19  }
0x9c: {  	s7 =	simm.s32 $0x0;
	s20 =	sshll.u32 s5, $0x1;
	s5 =	sadd.s32 s21, s3  }
0x9d: {  	[timem:s7], [sflag:s22] =	dma.local [hbm:s5], s20  }
0x9e: {  	_ =	swait.ge [sflag:s22], s20  }
0x9f: {  	s4 =	ssub.s32 $0x0, s20;
	[sflag:s22] =	ssyncset.done $0x0  }
0xa0: {  	[sflag:s22] =	ssyncadd.s32 s4;
	_ =	sdelay $0x1  }
0xa1: {  	s23 =	simm.s32 $0x1B8B  }
0xa2: {  	_ =	swait.ge [sflag:s23], $0x1  }
0xa3: {  	[sflag:s23] =	ssyncset.done $0x0  }
0xa4: {  	s25 =	simm.s32 $0x1B8E;
	s24 =	sld [smem:$0x3FFE];
	[sflag:s23] =	ssyncadd.s32 $0xFFFFFFFF  }
0xa5: {  	s26 =	simm.s32 $execute0_lowered;
	[smem:$0x3FD2] =	sst s25  }
0xa6: {  	s5 =	sshll.u32 s26, $0x1;
	_ =	strace $0x80000046;
	[dreg:$0x1] =	wrdreg $0xFFFFFFFF  }
0xa7: {  	s28 =	simm.s32 $_size_execute0_lowered;
	s3 =	sadd.s32 s3, s5;
	[dreg:$0x0] =	wrdreg $0x0  }
0xa8: {  	s5 =	sshll.u32 s28, $0x1;
	[dreg:$0x2] =	wrdreg s3  }
0xa9: {  	[dreg:$0x3] =	wrdreg s5  }
0xaa: {  	[dreg:$0x4] =	wrdreg $0xC0  }
0xab: {  	_ =	task [dreg:s7], $0x5FFFF  }
0xac: {  	[dreg:$0x1] =	wrdreg $0xFFFFFFFF  }
0xad: {  	[dreg:$0x0] =	wrdreg $0x60  }
0xae: {  	[dreg:$0x2] =	wrdreg s24  }
0xaf: {  	[dreg:$0x3] =	wrdreg s2  }
0xb0: {  	[dreg:$0x4] =	wrdreg $0x9  }
0xb1: {  	_ =	task.clear_ibuf [dreg:s7], $0x5FFFF;
	_ =	strace $0x90000046  }
0xb2: {  	s29 =	simm.s32 $0x9;
	_ =	strace $0x80000048  }
0xb3: {  	_ =	swait.ge [sflag:s29], $0x1  }
0xb4: {  	[sflag:s29] =	ssyncadd.s32 $0xFFFFFFFF  }
0xb5: {  	_ =	strace $0x90000048  }
0xb6: {  	_ =	sfence  }
0xb7: {  	s30 =	sld [smem:$0x0];
	_ =	sdelay $0x2  }
0xb8: {  	s31 =	sshll.u32 s1, $0xD;
	s1 =	sshrl.u32 s1, $0x2  }
0xb9: {  	s3 =	sand.u32 $0x4000, s31;
	s1 =	sadd.s32 s1, s30  }
0xba: {  	s0 =	sor.u32 s3, s0;
	s1 =	sshll.u32 s1, $0x11  }
0xbb: {  	s0 =	sor.u32 s1, s0  }
0xbc: {  	s0 =	sadd.s32 $0x8F2B, s0  }
0xbd: {  	[sflag:s0] =	ssyncadd.remote.s32 $0x1  }
0xbe: {  	_ =	sfence.sel $0xFFFF  }
0xbf: {  	[dreg:$0x0] =	wrdreg $0xFFFFFFFF;
	(pc) =	sbr.abs _section_cstart, $3  }
0xc0: {  	[dreg:$0x1] =	wrdreg $0xFFFFFFFF  }
0xc1: {  	_ =	task.clear_ibuf [dreg:s7], $0x2FFFF;
	_ =	strace $0x9FFFFFFF  }
0xc2: {  	(tm) =	ssettm $0x7FFFFFFF  }
0xc3: {  	_ =	shalt  }
tec
execute0_lowered:
.L_overlay_start_1:
0x0: {  	(tag) =	ssettag $0x1  }
0x1: {  	s5 =	rddreg [dreg:$0x0]  }
0x2: {  	s6 =	rddreg [dreg:$0x1]  }
0x3: {  	s0 =	rddreg [dreg:$0x2];
	s3 =	srdreg.scid  }
0x4: {  	s2 =	simm.s32 $0x0;
	s1 =	stileid.u32;
	s10 =	simm.s32 $0x2  }
0x5: {  	s11 =	simm.s32 $0x1;
	s12 =	simm.s32 $0x10200;
	s13 =	simm.s32 $0x0  }
0x6: {  	s4 =	sand.u32 $0x1, s3;
	[smem:$0x7FF] =	sst s2;
	s29 =	sshll.u32 s1, $0x6  }
0x7: {  	s7 =	sshll.u32 s4, $0x5;
	_ =	strace $0x80000047;
	s30 =	ssub.s32 $0x2, s4  }
0x8: {  	v0 =	vlaneseq.u32;
	s4 =	sadd.s32 $0x187000, s5;
	s3 =	sor.u32 s7, s29;
	s9 =	sshrl.u32 s30, $0x1  }
0x9: {  	v1 =	vmul.u32 $0xFFFFFFFF, v0;
	s8 =	sshll.u32 s3, $0x4;
	s7 =	ssub.s32 s30, s9;
	s31 =	sshrl.u32 s3, $0x3  }
0xa: {  	s9 =	simm.s32 $0x80;
	s5 =	sadd.s32 s8, s5;
	s6 =	sadd.s32 s6, s31  }
0xb: {  	v1 =	vadd.s32 $0xF, v1;
	s7 =	smax.u32 s7, $0x1;
	s8 =	simm.s32 $0x10;
	s5 =	sadd.s32 $0xDC7000, s5  }
.LBB2_1:
0xc: {  	s14 =	simm.s32 $0x800  }
0xd: {  	s17 =	simm.s32 $0x0;
	s15 =	sadd.s32 $0x4000, s5;
	s16 =	smov.u32 s5  }
.LBB2_2:
0xe: {  	[tilespmem:s17], [sflag:$0x2] =	stream.strided.gather [hbm4b:s16+s8], $0x200, s9, s8, $0x38;
	[tilespmem:$0x10220] =	vst v63  }
0xf: {  	s17 =	smov.u32 s14;
	s16 =	smov.u32 s15;
	p0 =	sne.s32 s14, $0x18000  }
.Ltmp0:
0x10: {  	s14 =	sadd.s32 $0x800, s14;
	(pc) =	sbr.rel @p0 .LBB2_2-.Ltmp0, $2  }
0x11: {  	_ =	sdelay $0x2  }
0x12: {  	s15 =	sadd.s32 $0x4000, s15;
	s17 =	sshra.s32 s17, $0x2  }
0x13: {  	[tilespmem:s17], [sflag:$0x2] =	stream.strided.gather [hbm4b:s16+s8], $0x200, s9, s8, $0x38;
	[tilespmem:$0x10220] =	vst v63  }
0x14: {  	_ =	swait.ge [sflag:s10], $0x6200  }
0x15: {  	s14 =	simm.s32 $0x0;
	[sflag:s10] =	ssyncset.done $0x0  }
0x16: {  	s15 =	simm.s32 $0x100;
	s16 =	simm.s32 $0x0;
	[sflag:s10] =	ssyncadd.s32 $0xFFFF9E00  }
.LBB2_4:
0x17: {  	v2 =	vld [tilespmem:s15+$0xFFFFFF00]  }
0x18: {  	v3 =	vld [tilespmem:s15+$0x0];
	_ =	sdelay $0x3  }
0x19: {  	v2 =	vsub.f32 $0.0e+00, v2  }
0x1a: {  	v4 =	vor.u32 s14, v0;
	v3 =	vsub.f32 $0.0e+00, v3  }
0x1b: {  	(xrf1) =	vsort.ascd.msk.f32 $0xffff, v2, v4  }
0x1c: {  	(xrf1) =	vsort.ascd.msk.f32 $0xffff, v3, v4;
	_ =	sdelay $0x6  }
0x1d: {  	s17 =	sadd.s32 $0x200, s15  }
0x1e: {  	v2 =	vld [tilespmem:s17+$0xFFFFFF00]  }
0x1f: {  	v3 =	vld [tilespmem:s17+$0x0];
	_ =	sdelay $0x3  }
0x20: {  	s18 =	simm.s32 $0x10;
	v2 =	vsub.f32 $0.0e+00, v2;
	v4, v5, _ =	vpop (xrf1)  }
0x21: {  	v8 =	vor.u32 s18, v0;
	v3 =	vsub.f32 $0.0e+00, v3;
	v6, v7, _ =	vpop (xrf1);
	v4 =	vsub.f32 $0.0e+00, v4  }
0x22: {  	v9 =	vimm.f32 $-3.000000010e+38;
	(xrf1) =	vsort.ascd.msk.f32 $0xffff, v2, v8;
	v2 =	vsub.f32 $0.0e+00, v6  }
0x23: {  	v63 =	vimm.s32 $0x0;
	(xrf1) =	vsort.ascd.msk.f32 $0xffff, v3, v8;
	vm0 =	vge.f32 v9, v4  }
0x24: {  	v3 =	vsel vm0, v9, v4;
	v4 =	vsel vm0, v63, v5;
	vm15 =	vge.f32 v9, v2  }
0x25: {  	v2 =	vsel vm15, v9, v2;
	v5 =	vsel vm15, v63, v7;
	(xrf1) =	vsort.ascd.msk.f32 $0xffff, v3, v4  }
0x26: {  	(xrf1) =	vsort.ascd.msk.f32 $0xffff, v2, v5;
	_ =	sdelay $0x4  }
0x27: {  	s17 =	sadd.s32 $0x200, s17  }
0x28: {  	v3 =	vld [tilespmem:s17+$0xFFFFFF00]  }
0x29: {  	v2 =	vld [tilespmem:s17+$0x0]  }
0x2a: {  	s19 =	simm.s32 $0x30;
	s18 =	simm.s32 $0x20  }
.LBB2_5:
0x2b: {  	p0 =	sne.s32 s19, $0x300  }
0x2c: {  	v4, v5, _ =	vpop (xrf1)  }
0x2d: {  	v3 =	vsub.f32 $0.0e+00, v3;
	v6, v7, _ =	vpop (xrf1)  }
0x2e: {  	v11 =	vor.u32 s18, v0;
	s18 =	smov.u32 s19;
	v4 =	vsub.f32 $0.0e+00, v4;
	v10 =	vsub.f32 $0.0e+00, v2  }
0x2f: {  	(xrf1) =	vsort.ascd.msk.f32 $0xffff, v3, v11;
	v3 =	vsub.f32 $0.0e+00, v6;
	v6, v9, _ =	vpop (xrf1)  }
0x30: {  	(xrf1) =	vsort.ascd.msk.f32 $0xffff, v10, v11;
	vm0 =	vge.f32 v6, v4;
	v2, v8, _ =	vpop (xrf1)  }
0x31: {  	v4 =	vsel vm0, v6, v4;
	v5 =	vsel vm0, v9, v5;
	vm0 =	vge.f32 v2, v3  }
0x32: {  	v2 =	vsel vm0, v2, v3;
	v3 =	vsel vm0, v8, v7;
	(xrf1) =	vsort.ascd.msk.f32 $0xffff, v4, v5  }
0x33: {  	(xrf1) =	vsort.ascd.msk.f32 $0xffff, v2, v3;
	_ =	sdelay $0x3  }
.Ltmp1:
0x34: {  	(pc) =	sbr.rel @p0 .LBB2_5-.Ltmp1, $4  }
0x35: {  	s17 =	sadd.s32 $0x200, s17  }
0x36: {  	v3 =	vld [tilespmem:s17+$0xFFFFFF00]  }
0x37: {  	v2 =	vld [tilespmem:s17+$0x0]  }
0x38: {  	s19 =	sadd.s32 $0x10, s19  }
0x39: {  	_ =	sdelay $0x2  }
0x3a: {  	v4, v5, _ =	vpop (xrf1);
	v2 =	vsub.f32 $0.0e+00, v2  }
0x3b: {  	v3 =	vsub.f32 $0.0e+00, v3;
	v6, v7, _ =	vpop (xrf1);
	v4 =	vsub.f32 $0.0e+00, v4  }
0x3c: {  	v8 =	vor.u32 s18, v0;
	v9, v10, _ =	vpop (xrf1)  }
0x3d: {  	(xrf1) =	vsort.ascd.msk.f32 $0xffff, v3, v8;
	v3 =	vsub.f32 $0.0e+00, v6;
	vm0 =	vge.f32 v9, v4  }
0x3e: {  	(xrf1) =	vsort.ascd.msk.f32 $0xffff, v2, v8;
	v4 =	vsel vm0, v9, v4;
	v5 =	vsel vm0, v10, v5;
	v2, v60, _ =	vpop (xrf1)  }
0x3f: {  	(xrf1) =	vsort.ascd.msk.f32 $0xffff, v4, v5;
	vm13 =	vge.f32 v2, v3  }
0x40: {  	v2 =	vsel vm13, v2, v3;
	v3 =	vsel vm13, v60, v7  }
0x41: {  	(xrf1) =	vsort.ascd.msk.f32 $0xffff, v2, v3;
	_ =	sdelay $0x9  }
0x42: {  	v2, v3, _ =	vpop (xrf1)  }
0x43: {  	v4, v5, _ =	vpop (xrf1);
	v2 =	vsub.f32 $0.0e+00, v2  }
0x44: {  	v6, v7, _ =	vpop (xrf1)  }
0x45: {  	v4 =	vsub.f32 $0.0e+00, v4;
	vm14 =	vge.f32 v6, v2  }
0x46: {  	v2 =	vsel vm14, v6, v2;
	v3 =	vsel vm14, v7, v3;
	v61, v62, _ =	vpop (xrf1)  }
0x47: {  	(xrf1) =	vsort.ascd.msk.f32 $0xffff, v2, v3;
	vm15 =	vge.f32 v61, v4  }
0x48: {  	v2 =	vsel vm15, v61, v4;
	v3 =	vsel vm15, v62, v5  }
0x49: {  	(xrf1) =	vsort.ascd.msk.f32 $0xffff, v2, v3;
	_ =	sdelay $0xb  }
0x4a: {  	s17 =	sor.u32 s3, s16;
	v2, v3, _ =	vpop (xrf1)  }
0x4b: {  	s17 =	sshll.u32 s17, $0x7;
	v2 =	vshll.u32 v3, $0x11  }
0x4c: {  	v2 =	vadd.s32 s17, v2;
	v3, v63, _ =	vpop (xrf1)  }
0x4d: {  	s17 =	sor.u32 $0x800, s17;
	v2 =	vshrl.u32 v2, $0x3;
	v3 =	vshll.u32 v63, $0x11  }
0x4e: {  	v2 =	vadd.s32 s4, v2;
	v3 =	vadd.s32 s17, v3  }
0x4f: {  	(v2sf) =	vpush v2, $0x6;
	v3 =	vshrl.u32 v3, $0x3  }
0x50: {  	v3 =	vadd.s32 s4, v3  }
0x51: {  	(v2sf) =	vpush v3, $0x6;
	_ =	sdelay $0x1  }
0x52: {  	(v2sf) =	vpush v2, $0x7;
	_ =	sdelay $0x1  }
0x53: {  	(v2sf) =	vpush v3, $0x7;
	_ =	sdelay $0x1  }
0x54: {  	(v2sf) =	vpush v2, $0x8;
	_ =	sdelay $0x1  }
0x55: {  	(v2sf) =	vpush v3, $0x8;
	_ =	sdelay $0x1  }
0x56: {  	s28 =	smul.u32 $0x1400, s16;
	(v2sf) =	vpush v2, $0x9;
	_ =	sdelay $0x1  }
0x57: {  	s17 =	sshra.s32 s28, $0x2;
	(v2sf) =	vpush v3, $0x9  }
0x58: {  	s29 =	sadd.s32 $0x6200, s17;
	s19 =	spop (v2sf)  }
0x59: {  	(v2sf) =	vpush v2, $0xA;
	[tilespmem:s29], [sflag:$0x1] =	stream.linear.gather [hbm4b:s19+s2], $0x80, $0x38;
	[tilespmem:$0x10220] =	vst v63  }
0x5a: {  	s30 =	sadd.s32 $0xB200, s17;
	s31 =	spop (v2sf)  }
0x5b: {  	(v2sf) =	vpush v3, $0xA;
	[tilespmem:s30], [sflag:$0x1] =	stream.linear.gather [hbm4b:s31+s2], $0x80, $0x38;
	[tilespmem:$0x10220] =	vst v63  }
0x5c: {  	s19 =	sadd.s32 $0x6280, s17;
	s20 =	spop (v2sf)  }
0x5d: {  	(v2sf) =	vpush v2, $0xB;
	[tilespmem:s19], [sflag:$0x1] =	stream.linear.gather [hbm4b:s20+s2], $0x80, $0x38;
	[tilespmem:$0x10220] =	vst v63  }
0x5e: {  	s21 =	sadd.s32 $0xB280, s17;
	s22 =	spop (v2sf)  }
0x5f: {  	(v2sf) =	vpush v3, $0xB;
	[tilespmem:s21], [sflag:$0x1] =	stream.linear.gather [hbm4b:s22+s2], $0x80, $0x38;
	[tilespmem:$0x10220] =	vst v63  }
0x60: {  	s23 =	sadd.s32 $0x6300, s17;
	s24 =	spop (v2sf)  }
0x61: {  	(v2sf) =	vpush v2, $0xC;
	[tilespmem:s23], [sflag:$0x1] =	stream.linear.gather [hbm4b:s24+s2], $0x80, $0x38;
	[tilespmem:$0x10220] =	vst v63  }
0x62: {  	s25 =	sadd.s32 $0xB300, s17;
	s26 =	spop (v2sf)  }
0x63: {  	(v2sf) =	vpush v3, $0xC;
	[tilespmem:s25], [sflag:$0x1] =	stream.linear.gather [hbm4b:s26+s2], $0x80, $0x38;
	[tilespmem:$0x10220] =	vst v63  }
0x64: {  	s28 =	sadd.s32 $0x6380, s17;
	s29 =	spop (v2sf)  }
0x65: {  	(v2sf) =	vpush v2, $0xD;
	[tilespmem:s28], [sflag:$0x1] =	stream.linear.gather [hbm4b:s29+s2], $0x80, $0x38;
	[tilespmem:$0x10220] =	vst v63  }
0x66: {  	s30 =	sadd.s32 $0xB380, s17;
	s31 =	spop (v2sf)  }
0x67: {  	(v2sf) =	vpush v3, $0xD;
	[tilespmem:s30], [sflag:$0x1] =	stream.linear.gather [hbm4b:s31+s2], $0x80, $0x38;
	[tilespmem:$0x10220] =	vst v63  }
0x68: {  	s19 =	sadd.s32 $0x6400, s17;
	s20 =	spop (v2sf)  }
0x69: {  	(v2sf) =	vpush v2, $0xE;
	[tilespmem:s19], [sflag:$0x1] =	stream.linear.gather [hbm4b:s20+s2], $0x80, $0x38;
	[tilespmem:$0x10220] =	vst v63  }
0x6a: {  	s21 =	sadd.s32 $0xB400, s17;
	s22 =	spop (v2sf)  }
0x6b: {  	(v2sf) =	vpush v3, $0xE;
	[tilespmem:s21], [sflag:$0x1] =	stream.linear.gather [hbm4b:s22+s2], $0x80, $0x38;
	[tilespmem:$0x10220] =	vst v63  }
0x6c: {  	s23 =	sadd.s32 $0x6480, s17;
	s24 =	spop (v2sf)  }
0x6d: {  	[tilespmem:s23], [sflag:$0x1] =	stream.linear.gather [hbm4b:s24+s2], $0x80, $0x38;
	[tilespmem:$0x10220] =	vst v63  }
0x6e: {  	s25 =	sadd.s32 $0xB480, s17;
	(v2sf) =	vpush v2, $0xF;
	s26 =	spop (v2sf)  }
0x6f: {  	[tilespmem:s25], [sflag:$0x1] =	stream.linear.gather [hbm4b:s26+s2], $0x80, $0x38;
	[tilespmem:$0x10220] =	vst v63  }
0x70: {  	s29 =	sadd.s32 $0x6500, s17;
	(v2sf) =	vpush v3, $0xF;
	s28 =	spop (v2sf)  }
0x71: {  	[tilespmem:s29], [sflag:$0x1] =	stream.linear.gather [hbm4b:s28+s2], $0x80, $0x38;
	[tilespmem:$0x10220] =	vst v63  }
0x72: {  	s31 =	sadd.s32 $0xB500, s17;
	s30 =	spop (v2sf)  }
0x73: {  	[tilespmem:s31], [sflag:$0x1] =	stream.linear.gather [hbm4b:s30+s2], $0x80, $0x38;
	[tilespmem:$0x10220] =	vst v63  }
0x74: {  	s21 =	sadd.s32 $0x6580, s17;
	s20 =	spop (v2sf)  }
0x75: {  	[tilespmem:s21], [sflag:$0x1] =	stream.linear.gather [hbm4b:s20+s2], $0x80, $0x38;
	[tilespmem:$0x10220] =	vst v63  }
0x76: {  	s23 =	sadd.s32 $0xB580, s17;
	s22 =	spop (v2sf)  }
0x77: {  	[tilespmem:s23], [sflag:$0x1] =	stream.linear.gather [hbm4b:s22+s2], $0x80, $0x38;
	[tilespmem:$0x10220] =	vst v63  }
0x78: {  	s16 =	sadd.s32 $0x1, s16;
	s25 =	sadd.s32 $0x6600, s17;
	s24 =	spop (v2sf)  }
0x79: {  	[tilespmem:s25], [sflag:$0x1] =	stream.linear.gather [hbm4b:s24+s2], $0x80, $0x38;
	[tilespmem:$0x10220] =	vst v63  }
0x7a: {  	p0 =	sne.s32 s16, $0x10;
	s28 =	sadd.s32 $0xB600, s17;
	s26 =	spop (v2sf)  }
0x7b: {  	[tilespmem:s28], [sflag:$0x1] =	stream.linear.gather [hbm4b:s26+s2], $0x80, $0x38;
	[tilespmem:$0x10220] =	vst v63  }
.Ltmp2:
0x7c: {  	_ = 	snop;
	(pc) =	sbr.rel @p0 .LBB2_4-.Ltmp2, $4  }
0x7d: {  	s30 =	sadd.s32 $0x6680, s17;
	s29 =	spop (v2sf)  }
0x7e: {  	[tilespmem:s30], [sflag:$0x1] =	stream.linear.gather [hbm4b:s29+s2], $0x80, $0x38;
	[tilespmem:$0x10220] =	vst v63  }
0x7f: {  	s15 =	sadd.s32 $0x10, s15;
	s17 =	sadd.s32 $0xB680, s17;
	s31 =	spop (v2sf)  }
0x80: {  	[tilespmem:s17], [sflag:$0x1] =	stream.linear.gather [hbm4b:s31+s2], $0x80, $0x38;
	[tilespmem:$0x10220] =	vst v63  }
0x81: {  	_ =	swait.ge [sflag:s11], $0x500  }
0x82: {  	[sflag:s11] =	ssyncset.done $0x0  }
0x83: {  	[sflag:s11] =	ssyncadd.s32 $0xFFFFFB00  }
0x84: {  	_ =	swait.ge [sflag:s11], $0x500  }
0x85: {  	[sflag:s11] =	ssyncset.done $0x0  }
0x86: {  	[sflag:s11] =	ssyncadd.s32 $0xFFFFFB00  }
0x87: {  	_ =	swait.ge [sflag:s11], $0x500  }
0x88: {  	[sflag:s11] =	ssyncset.done $0x0  }
0x89: {  	[sflag:s11] =	ssyncadd.s32 $0xFFFFFB00  }
0x8a: {  	_ =	swait.ge [sflag:s11], $0x500  }
0x8b: {  	[sflag:s11] =	ssyncset.done $0x0  }
0x8c: {  	[sflag:s11] =	ssyncadd.s32 $0xFFFFFB00  }
0x8d: {  	_ =	swait.ge [sflag:s11], $0x500  }
0x8e: {  	[sflag:s11] =	ssyncset.done $0x0  }
0x8f: {  	[sflag:s11] =	ssyncadd.s32 $0xFFFFFB00  }
0x90: {  	_ =	swait.ge [sflag:s11], $0x500  }
0x91: {  	[sflag:s11] =	ssyncset.done $0x0  }
0x92: {  	[sflag:s11] =	ssyncadd.s32 $0xFFFFFB00  }
0x93: {  	_ =	swait.ge [sflag:s11], $0x500  }
0x94: {  	[sflag:s11] =	ssyncset.done $0x0  }
0x95: {  	[sflag:s11] =	ssyncadd.s32 $0xFFFFFB00  }
0x96: {  	_ =	swait.ge [sflag:s11], $0x500  }
0x97: {  	[sflag:s11] =	ssyncset.done $0x0  }
0x98: {  	[sflag:s11] =	ssyncadd.s32 $0xFFFFFB00  }
0x99: {  	_ =	swait.ge [sflag:s11], $0x500  }
0x9a: {  	[sflag:s11] =	ssyncset.done $0x0  }
0x9b: {  	[sflag:s11] =	ssyncadd.s32 $0xFFFFFB00  }
0x9c: {  	_ =	swait.ge [sflag:s11], $0x500  }
0x9d: {  	[sflag:s11] =	ssyncset.done $0x0  }
0x9e: {  	[sflag:s11] =	ssyncadd.s32 $0xFFFFFB00  }
0x9f: {  	_ =	swait.ge [sflag:s11], $0x500  }
0xa0: {  	[sflag:s11] =	ssyncset.done $0x0  }
0xa1: {  	[sflag:s11] =	ssyncadd.s32 $0xFFFFFB00  }
0xa2: {  	_ =	swait.ge [sflag:s11], $0x500  }
0xa3: {  	[sflag:s11] =	ssyncset.done $0x0  }
0xa4: {  	[sflag:s11] =	ssyncadd.s32 $0xFFFFFB00  }
0xa5: {  	_ =	swait.ge [sflag:s11], $0x500  }
0xa6: {  	[sflag:s11] =	ssyncset.done $0x0  }
0xa7: {  	[sflag:s11] =	ssyncadd.s32 $0xFFFFFB00  }
0xa8: {  	_ =	swait.ge [sflag:s11], $0x500  }
0xa9: {  	[sflag:s11] =	ssyncset.done $0x0  }
0xaa: {  	[sflag:s11] =	ssyncadd.s32 $0xFFFFFB00  }
0xab: {  	_ =	swait.ge [sflag:s11], $0x500  }
0xac: {  	[sflag:s11] =	ssyncset.done $0x0  }
0xad: {  	[sflag:s11] =	ssyncadd.s32 $0xFFFFFB00  }
0xae: {  	_ =	swait.ge [sflag:s11], $0x500  }
0xaf: {  	[sflag:s11] =	ssyncset.done $0x0  }
0xb0: {  	[sflag:s11] =	ssyncadd.s32 $0xFFFFFB00  }
0xb1: {  	_ =	swait.ge [sflag:s11], $0x500  }
0xb2: {  	[sflag:s11] =	ssyncset.done $0x0  }
0xb3: {  	[sflag:s11] =	ssyncadd.s32 $0xFFFFFB00  }
0xb4: {  	_ =	swait.ge [sflag:s11], $0x500  }
0xb5: {  	[sflag:s11] =	ssyncset.done $0x0  }
0xb6: {  	[sflag:s11] =	ssyncadd.s32 $0xFFFFFB00  }
0xb7: {  	_ =	swait.ge [sflag:s11], $0x500  }
0xb8: {  	[sflag:s11] =	ssyncset.done $0x0  }
0xb9: {  	[sflag:s11] =	ssyncadd.s32 $0xFFFFFB00  }
0xba: {  	_ =	swait.ge [sflag:s11], $0x500  }
0xbb: {  	[sflag:s11] =	ssyncset.done $0x0  }
0xbc: {  	[sflag:s11] =	ssyncadd.s32 $0xFFFFFB00  }
0xbd: {  	_ =	swait.ge [sflag:s11], $0x500  }
0xbe: {  	[sflag:s11] =	ssyncset.done $0x0  }
0xbf: {  	[sflag:s11] =	ssyncadd.s32 $0xFFFFFB00  }
0xc0: {  	_ =	swait.ge [sflag:s11], $0x500  }
0xc1: {  	[sflag:s11] =	ssyncset.done $0x0  }
0xc2: {  	[sflag:s11] =	ssyncadd.s32 $0xFFFFFB00  }
0xc3: {  	_ =	swait.ge [sflag:s11], $0x500  }
0xc4: {  	[sflag:s11] =	ssyncset.done $0x0  }
0xc5: {  	[sflag:s11] =	ssyncadd.s32 $0xFFFFFB00  }
0xc6: {  	_ =	swait.ge [sflag:s11], $0x500  }
0xc7: {  	[sflag:s11] =	ssyncset.done $0x0  }
0xc8: {  	[sflag:s11] =	ssyncadd.s32 $0xFFFFFB00  }
0xc9: {  	_ =	swait.ge [sflag:s11], $0x500  }
0xca: {  	[sflag:s11] =	ssyncset.done $0x0  }
0xcb: {  	[sflag:s11] =	ssyncadd.s32 $0xFFFFFB00  }
0xcc: {  	_ =	swait.ge [sflag:s11], $0x500  }
0xcd: {  	[sflag:s11] =	ssyncset.done $0x0  }
0xce: {  	[sflag:s11] =	ssyncadd.s32 $0xFFFFFB00  }
0xcf: {  	_ =	swait.ge [sflag:s11], $0x500  }
0xd0: {  	[sflag:s11] =	ssyncset.done $0x0  }
0xd1: {  	[sflag:s11] =	ssyncadd.s32 $0xFFFFFB00  }
0xd2: {  	_ =	swait.ge [sflag:s11], $0x500  }
0xd3: {  	[sflag:s11] =	ssyncset.done $0x0  }
0xd4: {  	[sflag:s11] =	ssyncadd.s32 $0xFFFFFB00  }
0xd5: {  	_ =	swait.ge [sflag:s11], $0x500  }
0xd6: {  	[sflag:s11] =	ssyncset.done $0x0  }
0xd7: {  	[sflag:s11] =	ssyncadd.s32 $0xFFFFFB00  }
0xd8: {  	_ =	swait.ge [sflag:s11], $0x500  }
0xd9: {  	[sflag:s11] =	ssyncset.done $0x0  }
0xda: {  	[sflag:s11] =	ssyncadd.s32 $0xFFFFFB00  }
0xdb: {  	_ =	swait.ge [sflag:s11], $0x500  }
0xdc: {  	[sflag:s11] =	ssyncset.done $0x0  }
0xdd: {  	[sflag:s11] =	ssyncadd.s32 $0xFFFFFB00  }
0xde: {  	_ =	swait.ge [sflag:s11], $0x500  }
0xdf: {  	[sflag:s11] =	ssyncset.done $0x0  }
0xe0: {  	s14 =	simm.s32 $0x0;
	v2 =	vimm.f32 $0.0e+00;
	s15 =	simm.s32 $0x6200;
	v3 =	vimm.f32 $0.0e+00;
	[sflag:s11] =	ssyncadd.s32 $0xFFFFFB00  }
.LBB2_8:
0xe1: {  	v4 =	vmov s15;
	_ =	sdelay $0x3  }
0xe2: {  	s16 =	simm.s32 $0x0  }
0xe3: {  	v5 =	vld.idx.msk [tilespmem:v4+s16+$0x0 ss:$0x1], $0xffff  }
0xe4: {  	v6 =	vld.idx.msk [tilespmem:v4+s16+$0x5000 ss:$0x1], $0xffff;
	_ =	sdelay $0x3  }
0xe5: {  	(xrf1) =	vsort.ascd.msk.f32 $0xffff, v5, v5  }
0xe6: {  	(xrf1) =	vsort.ascd.msk.f32 $0xffff, v6, v6;
	_ =	sdelay $0x7  }
0xe7: {  	v5 =	vld.idx.msk [tilespmem:v4+s16+$0x10 ss:$0x1], $0xffff;
	_ =	sdelay $0x2  }
0xe8: {  	v6 =	vld.idx.msk [tilespmem:v4+s16+$0x5010 ss:$0x1], $0xffff;
	_ =	sdelay $0x1  }
0xe9: {  	v7, _, _ =	vpop (xrf1);
	(xrf1) =	vsort.ascd.msk.f32 $0xffff, v5, v5  }
0xea: {  	v7 =	vperm.xlane v7, v1;
	v8, _, _ =	vpop (xrf1)  }
0xeb: {  	v9 =	vimm.f32 $-3.000000010e+38;
	v8 =	vperm.xlane v8, v1  }
0xec: {  	(xrf1) =	vsort.ascd.msk.f32 $0xffff, v6, v6;
	v5 =	vmax.f32 v9, v7  }
0xed: {  	v6 =	vmax.f32 v9, v8;
	(xrf1) =	vsort.ascd.msk.f32 $0xffff, v5, v5  }
0xee: {  	(xrf1) =	vsort.ascd.msk.f32 $0xffff, v6, v6;
	_ =	sdelay $0x5  }
0xef: {  	v5 =	vld.idx.msk [tilespmem:v4+s16+$0x20 ss:$0x1], $0xffff;
	_ =	sdelay $0x2  }
0xf0: {  	v6 =	vld.idx.msk [tilespmem:v4+s16+$0x5020 ss:$0x1], $0xffff;
	v7, _, _ =	vpop (xrf1)  }
0xf1: {  	v7 =	vperm.xlane v7, v1  }
0xf2: {  	(xrf1) =	vsort.ascd.msk.f32 $0xffff, v5, v5  }
0xf3: {  	v52, _, _ =	vpop (xrf1)  }
0xf4: {  	v8 =	vperm.xlane v52, v1;
	v53, _, _ =	vpop (xrf1)  }
0xf5: {  	(xrf1) =	vsort.ascd.msk.f32 $0xffff, v6, v6;
	v5 =	vmax.f32 v53, v7;
	v7, _, _ =	vpop (xrf1)  }
0xf6: {  	v6 =	vmax.f32 v7, v8;
	(xrf1) =	vsort.ascd.msk.f32 $0xffff, v5, v5  }
0xf7: {  	(xrf1) =	vsort.ascd.msk.f32 $0xffff, v6, v6;
	_ =	sdelay $0x5  }
0xf8: {  	v5 =	vld.idx.msk [tilespmem:v4+s16+$0x30 ss:$0x1], $0xffff;
	_ =	sdelay $0x2  }
0xf9: {  	v6 =	vld.idx.msk [tilespmem:v4+s16+$0x5030 ss:$0x1], $0xffff;
	v7, _, _ =	vpop (xrf1)  }
0xfa: {  	v7 =	vperm.xlane v7, v1  }
0xfb: {  	(xrf1) =	vsort.ascd.msk.f32 $0xffff, v5, v5  }
0xfc: {  	v54, _, _ =	vpop (xrf1)  }
0xfd: {  	v8 =	vperm.xlane v54, v1;
	v55, _, _ =	vpop (xrf1)  }
0xfe: {  	(xrf1) =	vsort.ascd.msk.f32 $0xffff, v6, v6;
	v5 =	vmax.f32 v55, v7;
	v7, _, _ =	vpop (xrf1)  }
0xff: {  	v6 =	vmax.f32 v7, v8;
	(xrf1) =	vsort.ascd.msk.f32 $0xffff, v5, v5  }
0x100: {  	(xrf1) =	vsort.ascd.msk.f32 $0xffff, v6, v6;
	_ =	sdelay $0x5  }
0x101: {  	v5 =	vld.idx.msk [tilespmem:v4+s16+$0x40 ss:$0x1], $0xffff;
	_ =	sdelay $0x2  }
0x102: {  	v6 =	vld.idx.msk [tilespmem:v4+s16+$0x5040 ss:$0x1], $0xffff;
	v7, _, _ =	vpop (xrf1)  }
0x103: {  	v7 =	vperm.xlane v7, v1  }
0x104: {  	(xrf1) =	vsort.ascd.msk.f32 $0xffff, v5, v5  }
0x105: {  	v56, _, _ =	vpop (xrf1)  }
0x106: {  	v8 =	vperm.xlane v56, v1;
	v57, _, _ =	vpop (xrf1)  }
0x107: {  	(xrf1) =	vsort.ascd.msk.f32 $0xffff, v6, v6;
	v5 =	vmax.f32 v57, v7;
	v7, _, _ =	vpop (xrf1)  }
0x108: {  	v6 =	vmax.f32 v7, v8;
	(xrf1) =	vsort.ascd.msk.f32 $0xffff, v5, v5  }
0x109: {  	(xrf1) =	vsort.ascd.msk.f32 $0xffff, v6, v6;
	_ =	sdelay $0x5  }
0x10a: {  	v5 =	vld.idx.msk [tilespmem:v4+s16+$0x50 ss:$0x1], $0xffff;
	_ =	sdelay $0x2  }
0x10b: {  	v6 =	vld.idx.msk [tilespmem:v4+s16+$0x5050 ss:$0x1], $0xffff;
	v7, _, _ =	vpop (xrf1)  }
0x10c: {  	v7 =	vperm.xlane v7, v1  }
0x10d: {  	(xrf1) =	vsort.ascd.msk.f32 $0xffff, v5, v5  }
0x10e: {  	v58, _, _ =	vpop (xrf1)  }
0x10f: {  	v8 =	vperm.xlane v58, v1;
	v59, _, _ =	vpop (xrf1)  }
0x110: {  	(xrf1) =	vsort.ascd.msk.f32 $0xffff, v6, v6;
	v5 =	vmax.f32 v59, v7;
	v7, _, _ =	vpop (xrf1)  }
0x111: {  	v6 =	vmax.f32 v7, v8;
	(xrf1) =	vsort.ascd.msk.f32 $0xffff, v5, v5  }
0x112: {  	(xrf1) =	vsort.ascd.msk.f32 $0xffff, v6, v6;
	_ =	sdelay $0x5  }
0x113: {  	v5 =	vld.idx.msk [tilespmem:v4+s16+$0x60 ss:$0x1], $0xffff;
	_ =	sdelay $0x2  }
0x114: {  	v6 =	vld.idx.msk [tilespmem:v4+s16+$0x5060 ss:$0x1], $0xffff;
	v7, _, _ =	vpop (xrf1)  }
0x115: {  	v7 =	vperm.xlane v7, v1  }
0x116: {  	(xrf1) =	vsort.ascd.msk.f32 $0xffff, v5, v5  }
0x117: {  	v60, _, _ =	vpop (xrf1)  }
0x118: {  	v8 =	vperm.xlane v60, v1;
	v61, _, _ =	vpop (xrf1)  }
0x119: {  	(xrf1) =	vsort.ascd.msk.f32 $0xffff, v6, v6;
	v5 =	vmax.f32 v61, v7;
	v7, _, _ =	vpop (xrf1)  }
0x11a: {  	v6 =	vmax.f32 v7, v8;
	(xrf1) =	vsort.ascd.msk.f32 $0xffff, v5, v5  }
0x11b: {  	(xrf1) =	vsort.ascd.msk.f32 $0xffff, v6, v6;
	_ =	sdelay $0x7  }
0x11c: {  	v5 =	vld.idx.msk [tilespmem:v4+s16+$0x70 ss:$0x1], $0xffff  }
0x11d: {  	v6 =	vld.idx.msk [tilespmem:v4+s16+$0x5070 ss:$0x1], $0xffff;
	v7, _, _ =	vpop (xrf1)  }
0x11e: {  	v7 =	vperm.xlane v7, v1;
	_ =	sdelay $0x1  }
0x11f: {  	v62, _, _ =	vpop (xrf1)  }
0x120: {  	v8 =	vperm.xlane v62, v1;
	(xrf1) =	vsort.ascd.msk.f32 $0xffff, v5, v5;
	v63, _, _ =	vpop (xrf1)  }
0x121: {  	v5 =	vmax.f32 v63, v7;
	v7, _, _ =	vpop (xrf1);
	(xrf1) =	vsort.ascd.msk.f32 $0xffff, v6, v6  }
0x122: {  	v6 =	vmax.f32 v7, v8;
	(xrf1) =	vsort.ascd.msk.f32 $0xffff, v5, v5  }
0x123: {  	(xrf1) =	vsort.ascd.msk.f32 $0xffff, v6, v6;
	_ =	sdelay $0x5  }
0x124: {  	s16 =	simm.s32 $0x80  }
0x125: {  	s17 =	simm.s32 $0x400;
	v5 =	vld.idx.msk [tilespmem:v4+s16+$0x0 ss:$0x1], $0xffff  }
.LBB2_9:
0x126: {  	p0 =	sne.s32 s17, $0x1200;
	v6 =	vld.idx.msk [tilespmem:v4+s16+$0x5000 ss:$0x1], $0xffff;
	_ =	sdelay $0x2  }
0x127: {  	v7, _, _ =	vpop (xrf1)  }
0x128: {  	v9 =	vperm.xlane v7, v1;
	v8, _, _ =	vpop (xrf1)  }
0x129: {  	(xrf1) =	vsort.ascd.msk.f32 $0xffff, v5, v5;
	v5 =	vperm.xlane v8, v1;
	v8, _, _ =	vpop (xrf1)  }
0x12a: {  	(xrf1) =	vsort.ascd.msk.f32 $0xffff, v6, v6;
	v6 =	vmax.f32 v8, v9;
	v7, _, _ =	vpop (xrf1)  }
0x12b: {  	v5 =	vmax.f32 v7, v5;
	(xrf1) =	vsort.ascd.msk.f32 $0xffff, v6, v6  }
0x12c: {  	(xrf1) =	vsort.ascd.msk.f32 $0xffff, v5, v5;
	_ =	sdelay $0x6  }
0x12d: {  	v5 =	vld.idx.msk [tilespmem:v4+s16+$0x10 ss:$0x1], $0xffff  }
0x12e: {  	v6 =	vld.idx.msk [tilespmem:v4+s16+$0x5010 ss:$0x1], $0xffff;
	_ =	sdelay $0x2  }
0x12f: {  	v7, _, _ =	vpop (xrf1)  }
0x130: {  	v7 =	vperm.xlane v7, v1;
	v8, _, _ =	vpop (xrf1)  }
0x131: {  	v8 =	vperm.xlane v8, v1;
	(xrf1) =	vsort.ascd.msk.f32 $0xffff, v5, v5;
	v5, _, _ =	vpop (xrf1)  }
0x132: {  	v5 =	vmax.f32 v5, v7;
	(xrf1) =	vsort.ascd.msk.f32 $0xffff, v6, v6;
	v6, _, _ =	vpop (xrf1)  }
0x133: {  	v6 =	vmax.f32 v6, v8;
	(xrf1) =	vsort.ascd.msk.f32 $0xffff, v5, v5  }
0x134: {  	(xrf1) =	vsort.ascd.msk.f32 $0xffff, v6, v6;
	_ =	sdelay $0x6  }
0x135: {  	v5 =	vld.idx.msk [tilespmem:v4+s16+$0x20 ss:$0x1], $0xffff  }
0x136: {  	v6 =	vld.idx.msk [tilespmem:v4+s16+$0x5020 ss:$0x1], $0xffff;
	_ =	sdelay $0x2  }
0x137: {  	v7, _, _ =	vpop (xrf1)  }
0x138: {  	v10 =	vperm.xlane v7, v1;
	v8, _, _ =	vpop (xrf1)  }
0x139: {  	v8 =	vperm.xlane v8, v1;
	v9, _, _ =	vpop (xrf1);
	(xrf1) =	vsort.ascd.msk.f32 $0xffff, v5, v5  }
0x13a: {  	v5 =	vmax.f32 v9, v10;
	v7, _, _ =	vpop (xrf1);
	(xrf1) =	vsort.ascd.msk.f32 $0xffff, v6, v6  }
0x13b: {  	v6 =	vmax.f32 v7, v8;
	(xrf1) =	vsort.ascd.msk.f32 $0xffff, v5, v5  }
0x13c: {  	(xrf1) =	vsort.ascd.msk.f32 $0xffff, v6, v6;
	_ =	sdelay $0x6  }
0x13d: {  	v5 =	vld.idx.msk [tilespmem:v4+s16+$0x30 ss:$0x1], $0xffff  }
0x13e: {  	v6 =	vld.idx.msk [tilespmem:v4+s16+$0x5030 ss:$0x1], $0xffff;
	_ =	sdelay $0x2  }
0x13f: {  	v7, _, _ =	vpop (xrf1)  }
0x140: {  	v10 =	vperm.xlane v7, v1;
	v8, _, _ =	vpop (xrf1)  }
0x141: {  	v8 =	vperm.xlane v8, v1;
	v9, _, _ =	vpop (xrf1);
	(xrf1) =	vsort.ascd.msk.f32 $0xffff, v5, v5  }
0x142: {  	v5 =	vmax.f32 v9, v10;
	v7, _, _ =	vpop (xrf1);
	(xrf1) =	vsort.ascd.msk.f32 $0xffff, v6, v6  }
0x143: {  	v6 =	vmax.f32 v7, v8;
	(xrf1) =	vsort.ascd.msk.f32 $0xffff, v5, v5  }
0x144: {  	(xrf1) =	vsort.ascd.msk.f32 $0xffff, v6, v6;
	_ =	sdelay $0x6  }
0x145: {  	v5 =	vld.idx.msk [tilespmem:v4+s16+$0x40 ss:$0x1], $0xffff  }
0x146: {  	v6 =	vld.idx.msk [tilespmem:v4+s16+$0x5040 ss:$0x1], $0xffff;
	_ =	sdelay $0x2  }
0x147: {  	v7, _, _ =	vpop (xrf1)  }
0x148: {  	v10 =	vperm.xlane v7, v1;
	v8, _, _ =	vpop (xrf1)  }
0x149: {  	v8 =	vperm.xlane v8, v1;
	v9, _, _ =	vpop (xrf1);
	(xrf1) =	vsort.ascd.msk.f32 $0xffff, v5, v5  }
0x14a: {  	v5 =	vmax.f32 v9, v10;
	v7, _, _ =	vpop (xrf1);
	(xrf1) =	vsort.ascd.msk.f32 $0xffff, v6, v6  }
0x14b: {  	v6 =	vmax.f32 v7, v8;
	(xrf1) =	vsort.ascd.msk.f32 $0xffff, v5, v5  }
0x14c: {  	(xrf1) =	vsort.ascd.msk.f32 $0xffff, v6, v6;
	_ =	sdelay $0x6  }
0x14d: {  	v5 =	vld.idx.msk [tilespmem:v4+s16+$0x50 ss:$0x1], $0xffff  }
0x14e: {  	v6 =	vld.idx.msk [tilespmem:v4+s16+$0x5050 ss:$0x1], $0xffff;
	_ =	sdelay $0x2  }
0x14f: {  	v7, _, _ =	vpop (xrf1)  }
0x150: {  	v10 =	vperm.xlane v7, v1;
	v8, _, _ =	vpop (xrf1)  }
0x151: {  	v8 =	vperm.xlane v8, v1;
	v9, _, _ =	vpop (xrf1);
	(xrf1) =	vsort.ascd.msk.f32 $0xffff, v5, v5  }
0x152: {  	v5 =	vmax.f32 v9, v10;
	v7, _, _ =	vpop (xrf1);
	(xrf1) =	vsort.ascd.msk.f32 $0xffff, v6, v6  }
0x153: {  	v6 =	vmax.f32 v7, v8;
	(xrf1) =	vsort.ascd.msk.f32 $0xffff, v5, v5  }
0x154: {  	(xrf1) =	vsort.ascd.msk.f32 $0xffff, v6, v6;
	_ =	sdelay $0x6  }
0x155: {  	v5 =	vld.idx.msk [tilespmem:v4+s16+$0x60 ss:$0x1], $0xffff  }
0x156: {  	v6 =	vld.idx.msk [tilespmem:v4+s16+$0x5060 ss:$0x1], $0xffff;
	_ =	sdelay $0x2  }
0x157: {  	v7, _, _ =	vpop (xrf1)  }
0x158: {  	v10 =	vperm.xlane v7, v1;
	v8, _, _ =	vpop (xrf1)  }
0x159: {  	v8 =	vperm.xlane v8, v1;
	v9, _, _ =	vpop (xrf1);
	(xrf1) =	vsort.ascd.msk.f32 $0xffff, v5, v5  }
0x15a: {  	v5 =	vmax.f32 v9, v10;
	v7, _, _ =	vpop (xrf1);
	(xrf1) =	vsort.ascd.msk.f32 $0xffff, v6, v6  }
0x15b: {  	v6 =	vmax.f32 v7, v8;
	(xrf1) =	vsort.ascd.msk.f32 $0xffff, v5, v5  }
0x15c: {  	(xrf1) =	vsort.ascd.msk.f32 $0xffff, v6, v6;
	_ =	sdelay $0x6  }
0x15d: {  	v5 =	vld.idx.msk [tilespmem:v4+s16+$0x70 ss:$0x1], $0xffff  }
0x15e: {  	v6 =	vld.idx.msk [tilespmem:v4+s16+$0x5070 ss:$0x1], $0xffff;
	_ =	sdelay $0x2  }
0x15f: {  	v7, _, _ =	vpop (xrf1)  }
0x160: {  	v10 =	vperm.xlane v7, v1;
	v8, _, _ =	vpop (xrf1)  }
0x161: {  	v8 =	vperm.xlane v8, v1;
	v9, _, _ =	vpop (xrf1);
	(xrf1) =	vsort.ascd.msk.f32 $0xffff, v5, v5  }
0x162: {  	v5 =	vmax.f32 v9, v10;
	v7, _, _ =	vpop (xrf1);
	(xrf1) =	vsort.ascd.msk.f32 $0xffff, v6, v6  }
0x163: {  	v6 =	vmax.f32 v7, v8;
	(xrf1) =	vsort.ascd.msk.f32 $0xffff, v5, v5  }
0x164: {  	(xrf1) =	vsort.ascd.msk.f32 $0xffff, v6, v6;
	_ =	sdelay $0x2  }
.Ltmp3:
0x165: {  	(pc) =	sbr.rel @p0 .LBB2_9-.Ltmp3, $3  }
0x166: {  	_ =	sdelay $0x1  }
0x167: {  	s16 =	sshra.s32 s17, $0x2  }
0x168: {  	s17 =	sadd.s32 $0x200, s17;
	v5 =	vld.idx.msk [tilespmem:v4+s16+$0x0 ss:$0x1], $0xffff  }
0x169: {  	_ =	sdelay $0x3  }
0x16a: {  	v6 =	vld.idx.msk [tilespmem:v4+s16+$0x5000 ss:$0x1], $0xffff;
	_ =	sdelay $0x1  }
0x16b: {  	v7, _, _ =	vpop (xrf1)  }
0x16c: {  	v7 =	vperm.xlane v7, v1;
	v8, _, _ =	vpop (xrf1)  }
0x16d: {  	(xrf1) =	vsort.ascd.msk.f32 $0xffff, v5, v5;
	v5 =	vperm.xlane v8, v1;
	v22, _, _ =	vpop (xrf1)  }
0x16e: {  	(xrf1) =	vsort.ascd.msk.f32 $0xffff, v6, v6;
	v23 =	vmax.f32 v22, v7;
	v24, _, _ =	vpop (xrf1)  }
0x16f: {  	v5 =	vmax.f32 v24, v5;
	(xrf1) =	vsort.ascd.msk.f32 $0xffff, v23, v23  }
0x170: {  	(xrf1) =	vsort.ascd.msk.f32 $0xffff, v5, v5;
	_ =	sdelay $0x7  }
0x171: {  	v5 =	vld.idx.msk [tilespmem:v4+s16+$0x10 ss:$0x1], $0xffff  }
0x172: {  	v25 =	vld.idx.msk [tilespmem:v4+s16+$0x5010 ss:$0x1], $0xffff;
	_ =	sdelay $0x1  }
0x173: {  	v26, _, _ =	vpop (xrf1)  }
0x174: {  	v7 =	vperm.xlane v26, v1;
	v27, _, _ =	vpop (xrf1)  }
0x175: {  	(xrf1) =	vsort.ascd.msk.f32 $0xffff, v5, v5;
	v8 =	vperm.xlane v27, v1;
	v5, _, _ =	vpop (xrf1)  }
0x176: {  	(xrf1) =	vsort.ascd.msk.f32 $0xffff, v25, v25;
	v5 =	vmax.f32 v5, v7;
	v28, _, _ =	vpop (xrf1)  }
0x177: {  	v6 =	vmax.f32 v28, v8;
	(xrf1) =	vsort.ascd.msk.f32 $0xffff, v5, v5  }
0x178: {  	(xrf1) =	vsort.ascd.msk.f32 $0xffff, v6, v6;
	_ =	sdelay $0x7  }
0x179: {  	v5 =	vld.idx.msk [tilespmem:v4+s16+$0x20 ss:$0x1], $0xffff  }
0x17a: {  	v29 =	vld.idx.msk [tilespmem:v4+s16+$0x5020 ss:$0x1], $0xffff;
	_ =	sdelay $0x1  }
0x17b: {  	v30, _, _ =	vpop (xrf1)  }
0x17c: {  	v7 =	vperm.xlane v30, v1;
	v31, _, _ =	vpop (xrf1)  }
0x17d: {  	(xrf1) =	vsort.ascd.msk.f32 $0xffff, v5, v5;
	v8 =	vperm.xlane v31, v1;
	v9, _, _ =	vpop (xrf1)  }
0x17e: {  	(xrf1) =	vsort.ascd.msk.f32 $0xffff, v29, v29;
	v5 =	vmax.f32 v9, v7;
	v32, _, _ =	vpop (xrf1)  }
0x17f: {  	v33 =	vmax.f32 v32, v8;
	(xrf1) =	vsort.ascd.msk.f32 $0xffff, v5, v5  }
0x180: {  	(xrf1) =	vsort.ascd.msk.f32 $0xffff, v33, v33;
	_ =	sdelay $0x7  }
0x181: {  	v5 =	vld.idx.msk [tilespmem:v4+s16+$0x30 ss:$0x1], $0xffff  }
0x182: {  	v34 =	vld.idx.msk [tilespmem:v4+s16+$0x5030 ss:$0x1], $0xffff;
	_ =	sdelay $0x1  }
0x183: {  	v35, _, _ =	vpop (xrf1)  }
0x184: {  	v7 =	vperm.xlane v35, v1;
	v36, _, _ =	vpop (xrf1)  }
0x185: {  	(xrf1) =	vsort.ascd.msk.f32 $0xffff, v5, v5;
	v8 =	vperm.xlane v36, v1;
	v37, _, _ =	vpop (xrf1)  }
0x186: {  	(xrf1) =	vsort.ascd.msk.f32 $0xffff, v34, v34;
	v5 =	vmax.f32 v37, v7;
	v38, _, _ =	vpop (xrf1)  }
0x187: {  	v39 =	vmax.f32 v38, v8;
	(xrf1) =	vsort.ascd.msk.f32 $0xffff, v5, v5  }
0x188: {  	(xrf1) =	vsort.ascd.msk.f32 $0xffff, v39, v39;
	_ =	sdelay $0x7  }
0x189: {  	v5 =	vld.idx.msk [tilespmem:v4+s16+$0x40 ss:$0x1], $0xffff  }
0x18a: {  	v40 =	vld.idx.msk [tilespmem:v4+s16+$0x5040 ss:$0x1], $0xffff;
	_ =	sdelay $0x1  }
0x18b: {  	v41, _, _ =	vpop (xrf1)  }
0x18c: {  	v7 =	vperm.xlane v41, v1;
	v42, _, _ =	vpop (xrf1)  }
0x18d: {  	(xrf1) =	vsort.ascd.msk.f32 $0xffff, v5, v5;
	v8 =	vperm.xlane v42, v1;
	v43, _, _ =	vpop (xrf1)  }
0x18e: {  	(xrf1) =	vsort.ascd.msk.f32 $0xffff, v40, v40;
	v5 =	vmax.f32 v43, v7;
	v44, _, _ =	vpop (xrf1)  }
0x18f: {  	v45 =	vmax.f32 v44, v8;
	(xrf1) =	vsort.ascd.msk.f32 $0xffff, v5, v5  }
0x190: {  	(xrf1) =	vsort.ascd.msk.f32 $0xffff, v45, v45;
	_ =	sdelay $0x7  }
0x191: {  	v5 =	vld.idx.msk [tilespmem:v4+s16+$0x50 ss:$0x1], $0xffff  }
0x192: {  	v46 =	vld.idx.msk [tilespmem:v4+s16+$0x5050 ss:$0x1], $0xffff;
	_ =	sdelay $0x1  }
0x193: {  	v47, _, _ =	vpop (xrf1)  }
0x194: {  	v7 =	vperm.xlane v47, v1;
	v48, _, _ =	vpop (xrf1)  }
0x195: {  	(xrf1) =	vsort.ascd.msk.f32 $0xffff, v5, v5;
	v8 =	vperm.xlane v48, v1;
	v49, _, _ =	vpop (xrf1)  }
0x196: {  	(xrf1) =	vsort.ascd.msk.f32 $0xffff, v46, v46;
	v5 =	vmax.f32 v49, v7;
	v50, _, _ =	vpop (xrf1)  }
0x197: {  	v51 =	vmax.f32 v50, v8;
	(xrf1) =	vsort.ascd.msk.f32 $0xffff, v5, v5  }
0x198: {  	(xrf1) =	vsort.ascd.msk.f32 $0xffff, v51, v51;
	_ =	sdelay $0x7  }
0x199: {  	v5 =	vld.idx.msk [tilespmem:v4+s16+$0x60 ss:$0x1], $0xffff  }
0x19a: {  	v52 =	vld.idx.msk [tilespmem:v4+s16+$0x5060 ss:$0x1], $0xffff;
	_ =	sdelay $0x1  }
0x19b: {  	v53, _, _ =	vpop (xrf1)  }
0x19c: {  	v7 =	vperm.xlane v53, v1;
	v54, _, _ =	vpop (xrf1)  }
0x19d: {  	(xrf1) =	vsort.ascd.msk.f32 $0xffff, v5, v5;
	v8 =	vperm.xlane v54, v1;
	v55, _, _ =	vpop (xrf1)  }
0x19e: {  	(xrf1) =	vsort.ascd.msk.f32 $0xffff, v52, v52;
	v5 =	vmax.f32 v55, v7;
	v56, _, _ =	vpop (xrf1)  }
0x19f: {  	v57 =	vmax.f32 v56, v8;
	(xrf1) =	vsort.ascd.msk.f32 $0xffff, v5, v5  }
0x1a0: {  	(xrf1) =	vsort.ascd.msk.f32 $0xffff, v57, v57;
	_ =	sdelay $0x7  }
0x1a1: {  	v5 =	vld.idx.msk [tilespmem:v4+s16+$0x70 ss:$0x1], $0xffff  }
0x1a2: {  	v4 =	vld.idx.msk [tilespmem:v4+s16+$0x5070 ss:$0x1], $0xffff;
	_ =	sdelay $0x1  }
0x1a3: {  	v58, _, _ =	vpop (xrf1)  }
0x1a4: {  	v6 =	vperm.xlane v58, v1;
	v59, _, _ =	vpop (xrf1)  }
0x1a5: {  	v7 =	vperm.xlane v59, v1;
	(xrf1) =	vsort.ascd.msk.f32 $0xffff, v5, v5;
	v60, _, _ =	vpop (xrf1)  }
0x1a6: {  	(xrf1) =	vsort.ascd.msk.f32 $0xffff, v4, v4;
	v5 =	vmax.f32 v60, v6;
	v61, _, _ =	vpop (xrf1)  }
0x1a7: {  	v4 =	vmax.f32 v61, v7;
	(xrf1) =	vsort.ascd.msk.f32 $0xffff, v5, v5  }
0x1a8: {  	(xrf1) =	vsort.ascd.msk.f32 $0xffff, v4, v4;
	_ =	sdelay $0xa  }
0x1a9: {  	v4, _, _ =	vpop (xrf1)  }
0x1aa: {  	v4 =	vperm.xlane v4, v1;
	v5, _, _ =	vpop (xrf1)  }
0x1ab: {  	v5 =	vperm.xlane v5, v1;
	v62, _, _ =	vpop (xrf1)  }
0x1ac: {  	v4 =	vmax.f32 v62, v4;
	v63, _, _ =	vpop (xrf1)  }
0x1ad: {  	v5 =	vmax.f32 v63, v5;
	(xrf1) =	vsort.ascd.msk.f32 $0xffff, v4, v4  }
0x1ae: {  	(xrf1) =	vsort.ascd.msk.f32 $0xffff, v5, v5;
	_ =	sdelay $0xc  }
0x1af: {  	v4, _, _ =	vpop (xrf1)  }
0x1b0: {  	v5, _, _ =	vpop (xrf1);
	(v2sf) =	vpush v4, $0x6  }
0x1b1: {  	(v2sf) =	vpush v5, $0x6;
	_ =	sdelay $0xd  }
0x1b2: {  	v4 =	vmov s14;
	s14 =	sadd.s32 $0x1, s14;
	s31 =	spop (v2sf)  }
0x1b3: {  	p0 =	sne.s32 s14, $0x10;
	s16 =	sadd.f32 s31, s31;
	s17 =	spop (v2sf)  }
.Ltmp4:
0x1b4: {  	s17 =	sadd.f32 s17, s17;
	(pc) =	sbr.rel @p0 .LBB2_8-.Ltmp4, $4  }
0x1b5: {  	s16 =	ssub.f32 $2.000000000e+00, s16  }
0x1b6: {  	s17 =	ssub.f32 $2.000000000e+00, s17  }
0x1b7: {  	vm0 =	veq.s32 v4, v0  }
0x1b8: {  	s15 =	sadd.s32 $0x500, s15;
	v3 =	vsel vm0, s16, v3;
	v2 =	vsel vm0, s17, v2  }
0x1b9: {  	s13 =	sadd.s32 $0x1, s13  }
0x1ba: {  	[tilespmem:$0x10200] =	vst v3;
	p0 =	sne.s32 s13, s7  }
.Ltmp5:
0x1bb: {  	[tilespmem:$0x10210] =	vst v2;
	(pc) =	sbr.rel @p0 .LBB2_1-.Ltmp5, $4  }
0x1bc: {  	[hbm4b:s6+s2] =	stream.linear.scatter [tilespmem:s12], [sflag:$0x2], $0x20, $0x38;
	[tilespmem:$0x10220] =	vst v63  }
0x1bd: {  	_ =	swait.ge [sflag:s10], $0x20  }
0x1be: {  	[sflag:s10] =	ssyncset.done $0x0  }
0x1bf: {  	[sflag:s10] =	ssyncadd.s32 $0xFFFFFFE0  }
0x1c0: {  	_ =	sfence.sel $0x180000  }
0x1c1: {  	[bflag:$0x0] =	sbarrier.arrive $0xFFFF  }
0x1c2: {  	p0 =	sne.s32 s1, $0x0;
	_ =	strace $0x90000047  }
0x1c3: {  	s0 =	sadd.s32 @!p0 $0x100000, s0;
	[bflag:$0x2] =	sbarrier.arrive $0xFFFF  }
0x1c4: {  	[sflag:s0] =	ssyncadd.tile.s32 @!p0 $0x1;
	_ =	shalt  }
.Lfunc_end2:
_tile_overlayer_lowered:
.L_overlay_start_2:
0x1c5: {  	(tag) =	ssettag $0x2  }
0x1c6: {  	s0 =	rddreg [dreg:$0x0];
	s2 =	stileid.u32  }
0x1c7: {  	s1 =	rddreg [dreg:$0x1];
	p0 =	sne.s32 s2, $0x0  }
0x1c8: {  	s3 =	rddreg [dreg:$0x2];
	[bflag:$0x3] =	sbarrier.arrive $0xFFFF;
	s2 =	simm.s32 @!p0 $0x1C02  }
0x1c9: {  	[timem:s3], [sflag:s2] =	dma.local @!p0 [hbm:s0], s1  }
0x1ca: {  	s0 =	simm.s32 @!p0 $0x2  }
0x1cb: {  	_ =	swait.ge @!p0 [sflag:s0], s1  }
0x1cc: {  	s1 =	ssub.s32 @!p0 $0x0, s1;
	[sflag:s0] =	ssyncset.done @!p0 $0x0  }
0x1cd: {  	[sflag:s0] =	ssyncadd.s32 @!p0 s1  }
0x1ce: {  	[bflag:$0x3] =	sbarrier.arrive $0xFFFF  }
0x1cf: {  	_ =	shalt  }

</sc_bundles>
